<compile_context>
chip_gen: v7x
topology: tpu7x:2x2x1
jax: 0.10.2.dev20260603
libtpu: 0.0.44.dev20260713+nightly
codegen_flags: <defaults>
</compile_context>

<pallas_src>
import functools

import jax
import jax.numpy as jnp
from jax import lax
from jax.experimental import pallas as pl
from jax.experimental.pallas import tpu as pltpu
from jax.experimental.pallas import tpu_sc as plsc

N = 10000
NP = 10240
NBLK = 8
BLK = NP // NBLK
NW = 32
TPC = 16
ROWS_PER_TILE = NP // TPC
CH = 64


def _pad_edges(src, dst, e):
    epw = -(-e // NW)
    n_chunk = -(-epw // CH)
    if n_chunk % 2 == 0:
        n_chunk += 1
    ep = NW * n_chunk * CH
    pad = ep - e
    fill = jnp.full((pad,), N, dtype=jnp.int32)
    src3 = jnp.concatenate([src, fill]).reshape(NW, n_chunk, CH)
    dst3 = jnp.concatenate([dst, fill]).reshape(NW, n_chunk, CH)
    return src3, dst3, n_chunk



_SC_PARAMS = pltpu.CompilerParams(use_tc_tiling_on_sc=False)


def _make_deg_kernel(n_chunk):
    mesh = plsc.VectorSubcoreMesh(core_axis_name="c", subcore_axis_name="s")

    @functools.partial(
        pl.kernel,
        out_type=jax.ShapeDtypeStruct((2, NP, 16), jnp.float32),
        mesh=mesh,
        compiler_params=_SC_PARAMS,
        scratch_types=[
            pltpu.VMEM_SHARED((NP, 16), jnp.float32),
            pltpu.VMEM((n_chunk, CH), jnp.int32),
            pltpu.VMEM((CH, 16), jnp.float32),
        ],
    )
    def deg_kernel(dst3_hbm, zeros_hbm, out_hbm, acc, dstv, ones_v):
        c = lax.axis_index("c")
        s = lax.axis_index("s")
        wid = c * TPC + s
        pltpu.sync_copy(zeros_hbm, acc.at[pl.ds(s * ROWS_PER_TILE, ROWS_PER_TILE)])
        for r in range(CH):
            ones_v[r, :] = jnp.ones((16,), jnp.float32)
        plsc.subcore_barrier()
        pltpu.sync_copy(dst3_hbm.at[wid], dstv)

        def chunk(j, carry):
            pltpu.sync_copy(ones_v, acc.at[dstv.at[j]], add=True)
            return carry

        lax.fori_loop(0, n_chunk, chunk, 0)
        plsc.subcore_barrier()
        sl = pl.ds(s * ROWS_PER_TILE, ROWS_PER_TILE)
        pltpu.sync_copy(acc.at[sl], out_hbm.at[c, sl])

    return deg_kernel


def _make_scat_kernel(n_chunk, d):
    mesh = plsc.VectorSubcoreMesh(core_axis_name="c", subcore_axis_name="s")

    @functools.partial(
        pl.kernel,
        out_type=jax.ShapeDtypeStruct((2, NP, d), jnp.float32),
        mesh=mesh,
        compiler_params=_SC_PARAMS,
        scratch_types=[
            pltpu.VMEM_SHARED((NP, d), jnp.float32),
            pltpu.VMEM((n_chunk, CH), jnp.int32),
            pltpu.VMEM((n_chunk, CH), jnp.int32),
            pltpu.VMEM((CH, d), jnp.float32),
            pltpu.VMEM((CH, d), jnp.float32),
            pltpu.SemaphoreType.DMA,
            pltpu.SemaphoreType.DMA,
        ],
    )
    def scat_kernel(hp_hbm, src3_hbm, dst3_hbm, zeros_hbm, out_hbm,
                    acc, srcv, dstv, rows_a, rows_b, sem_a, sem_b):
        c = lax.axis_index("c")
        s = lax.axis_index("s")
        wid = c * TPC + s
        pltpu.sync_copy(zeros_hbm, acc.at[pl.ds(s * ROWS_PER_TILE, ROWS_PER_TILE)])
        plsc.subcore_barrier()
        pltpu.sync_copy(src3_hbm.at[wid], srcv)
        pltpu.sync_copy(dst3_hbm.at[wid], dstv)

        def g_start(j, buf, sem):
            pltpu.async_copy(hp_hbm.at[srcv.at[j]], buf, sem)

        def g_wait(j, buf, sem):
            pltpu.make_async_copy(hp_hbm.at[srcv.at[j]], buf, sem).wait()

        def scat(j, buf):
            pltpu.sync_copy(buf, acc.at[dstv.at[j]], add=True)

        n2 = (n_chunk - 1) // 2
        g_start(0, rows_a, sem_a)

        def pair(k, carry):
            ja = 2 * k
            g_wait(ja, rows_a, sem_a)
            g_start(ja + 1, rows_b, sem_b)
            scat(ja, rows_a)
            g_wait(ja + 1, rows_b, sem_b)
            g_start(ja + 2, rows_a, sem_a)
            scat(ja + 1, rows_b)
            return carry

        lax.fori_loop(0, n2, pair, 0)
        g_wait(n_chunk - 1, rows_a, sem_a)
        scat(n_chunk - 1, rows_a)
        plsc.subcore_barrier()
        sl = pl.ds(s * ROWS_PER_TILE, ROWS_PER_TILE)
        pltpu.sync_copy(acc.at[sl], out_hbm.at[c, sl])

    return scat_kernel



def _mm1_body(x_ref, w_ref, b_ref, dinv_ref, o_ref):
    acc = jnp.dot(x_ref[...], w_ref[...], preferred_element_type=jnp.float32)
    o_ref[...] = dinv_ref[...] * (acc + b_ref[...])


def _mm1(xp, w1, b1r, dinv_col):
    return pl.pallas_call(
        _mm1_body,
        grid=(NBLK,),
        in_specs=[
            pl.BlockSpec((BLK, 128), lambda i: (i, 0)),
            pl.BlockSpec((128, 128), lambda i: (0, 0)),
            pl.BlockSpec((1, 128), lambda i: (0, 0)),
            pl.BlockSpec((BLK, 1), lambda i: (i, 0)),
        ],
        out_specs=pl.BlockSpec((BLK, 128), lambda i: (i, 0)),
        out_shape=jax.ShapeDtypeStruct((NP, 128), jnp.float32),
    )(xp, w1, b1r, dinv_col)


def _mm2_body(sa_ref, sb_ref, hp_ref, dinv_ref, w_ref, b_ref, o1_ref, h2_ref):
    smooth = dinv_ref[...] * (sa_ref[...] + sb_ref[...] + hp_ref[...])
    o1 = jnp.maximum(smooth, 0.0)
    o1_ref[...] = o1
    acc = jnp.dot(o1, w_ref[...], preferred_element_type=jnp.float32)
    h2_ref[...] = dinv_ref[...] * (acc + b_ref[...])


def _mm2(s1a, s1b, hp1, dinv_col, w2, b2r):
    return pl.pallas_call(
        _mm2_body,
        grid=(NBLK,),
        in_specs=[
            pl.BlockSpec((BLK, 128), lambda i: (i, 0)),
            pl.BlockSpec((BLK, 128), lambda i: (i, 0)),
            pl.BlockSpec((BLK, 128), lambda i: (i, 0)),
            pl.BlockSpec((BLK, 1), lambda i: (i, 0)),
            pl.BlockSpec((128, 64), lambda i: (0, 0)),
            pl.BlockSpec((1, 64), lambda i: (0, 0)),
        ],
        out_specs=[
            pl.BlockSpec((BLK, 128), lambda i: (i, 0)),
            pl.BlockSpec((BLK, 64), lambda i: (i, 0)),
        ],
        out_shape=[
            jax.ShapeDtypeStruct((NP, 128), jnp.float32),
            jax.ShapeDtypeStruct((NP, 64), jnp.float32),
        ],
    )(s1a, s1b, hp1, dinv_col, w2, b2r)


def _fin_body(sa_ref, sb_ref, hp_ref, dinv_ref, o_ref):
    o_ref[...] = dinv_ref[...] * (sa_ref[...] + sb_ref[...] + hp_ref[...])


def _fin(s2a, s2b, hp2, dinv_col):
    return pl.pallas_call(
        _fin_body,
        grid=(NBLK,),
        in_specs=[
            pl.BlockSpec((BLK, 64), lambda i: (i, 0)),
            pl.BlockSpec((BLK, 64), lambda i: (i, 0)),
            pl.BlockSpec((BLK, 64), lambda i: (i, 0)),
            pl.BlockSpec((BLK, 1), lambda i: (i, 0)),
        ],
        out_specs=pl.BlockSpec((BLK, 64), lambda i: (i, 0)),
        out_shape=jax.ShapeDtypeStruct((NP, 64), jnp.float32),
    )(s2a, s2b, hp2, dinv_col)



def kernel(X, edge_index, W1, b1, W2, b2):
    e = edge_index.shape[1]
    src = edge_index[0]
    dst = edge_index[1]
    src3, dst3, n_chunk = _pad_edges(src, dst, e)

    xp = jnp.zeros((NP, 128), jnp.float32).at[:N].set(X)
    b1r = b1.reshape(1, 128)
    b2r = b2.reshape(1, 64)
    z16 = jnp.zeros((ROWS_PER_TILE, 16), jnp.float32)
    z128 = jnp.zeros((ROWS_PER_TILE, 128), jnp.float32)
    z64 = jnp.zeros((ROWS_PER_TILE, 64), jnp.float32)

    degp = _make_deg_kernel(n_chunk)(dst3, z16)
    deg = degp[0, :, 0] + degp[1, :, 0] + 1.0
    dinv = lax.rsqrt(jnp.maximum(deg, 1.0))
    dinv = jnp.where(jnp.arange(NP) < N, dinv, 0.0)
    dinv_col = dinv[:, None]

    hp1 = _mm1(xp, W1, b1r, dinv_col)
    s1 = _make_scat_kernel(n_chunk, 128)(hp1, src3, dst3, z128)
    out1p, hp2 = _mm2(s1[0], s1[1], hp1, dinv_col, W2, b2r)
    s2 = _make_scat_kernel(n_chunk, 64)(hp2, src3, dst3, z64)
    out2p = _fin(s2[0], s2[1], hp2, dinv_col)
    return (out1p[:N], out2p[:N])

# --- scband reference (transcript-rebuilt; emitter-appended) ---
"""Pipeline reference for scband-gcns-76046690942998 (READ-ONLY COPY).

The authoritative reference and input builder live on the scoring server;
editing this copy changes nothing except your own understanding.
"""

import jax, jax.numpy as jnp
import numpy as np

N = 10000
E = 320000
D_IN = 128
D_HID = 128
N_CLS = 64


def setup_inputs(seed: int = 0) -> dict:
    key = jax.random.key(seed)
    k1, k2, k3, k4, k5, k6 = jax.random.split(key, 6)
    X = jax.random.normal(k1, (N, D_IN), dtype=jnp.float32)
    edge_index = jax.random.randint(k2, (2, E), 0, N, dtype=jnp.int32)
    # GCNConv layer 1 (theta: Linear(in, hid))
    W1 = jax.random.normal(k3, (D_IN, D_HID), dtype=jnp.float32) * (1.0 / np.sqrt(D_IN))
    b1 = jnp.zeros((D_HID,), dtype=jnp.float32)
    # GCNConv layer 2 (theta: Linear(hid, num_classes), is_last=True)
    W2 = jax.random.normal(k4, (D_HID, N_CLS), dtype=jnp.float32) * (1.0 / np.sqrt(D_HID))
    b2 = jnp.zeros((N_CLS,), dtype=jnp.float32)
    return {"X": X, "edge_index": edge_index, "W1": W1, "b1": b1, "W2": W2, "b2": b2}


def _gcn_smoothing(H, src, dst, n_nodes):
    # smoothing_with_GCN: D_hat^{-1/2} (A + I) D_hat^{-1/2} H
    loop = jnp.arange(n_nodes, dtype=src.dtype)
    src2 = jnp.concatenate([src, loop])
    dst2 = jnp.concatenate([dst, loop])
    ones = jnp.ones(src2.shape[0], dtype=jnp.float32)
    deg = jax.ops.segment_sum(ones, dst2, num_segments=n_nodes)
    dinv = jax.lax.rsqrt(jnp.clip(deg, 1.0, None))
    norm = dinv[src2] * dinv[dst2]
    msg = jnp.take(H, src2, axis=0) * norm[:, None]
    return jax.ops.segment_sum(msg, dst2, num_segments=n_nodes)


def reference(X, edge_index, W1, b1, W2, b2):
    src = edge_index[0]
    dst = edge_index[1]
    # Layer 1: theta -> GCN smoothing -> relu (dropout is eval no-op; use_bn=False)
    H = X @ W1 + b1
    H = _gcn_smoothing(H, src, dst, N)
    out1 = jax.nn.relu(H)
    # Layer 2 (is_last=True): theta -> GCN smoothing
    H2 = out1 @ W2 + b2
    out2 = _gcn_smoothing(H2, src, dst, N)
    return (out1, out2)

if __name__ == "__main__":
    import jax
    _d = setup_inputs()
    print(jax.jit(kernel)(*tuple(_d.values())))

</pallas_src>

<mosaic_0001>
#map = affine_map<(d0, d1) -> (0, 0)>
#map1 = affine_map<(d0, d1) -> (0, 0, 0)>
module attributes {stable_mosaic.version = 14 : i64} {
  func.func @scat_kernel(%arg0: i32, %arg1: i32, %arg2: memref<10240x64xf32, #tpu.memory_space<hbm>>, %arg3: memref<32x157x64xi32, #tpu.memory_space<hbm>>, %arg4: memref<32x157x64xi32, #tpu.memory_space<hbm>>, %arg5: memref<640x64xf32, #tpu.memory_space<hbm>>, %arg6: memref<2x10240x64xf32, #tpu.memory_space<hbm>>, %arg7: memref<10240x64xf32, #tpu.memory_space<vmem_shared>>, %arg8: memref<157x64xi32, #tpu.memory_space<vmem>>, %arg9: memref<157x64xi32, #tpu.memory_space<vmem>>, %arg10: memref<64x64xf32, #tpu.memory_space<vmem>>, %arg11: memref<64x64xf32, #tpu.memory_space<vmem>>, %arg12: memref<!tpu.dma_semaphore, #tpu.memory_space<semaphore_mem>>, %arg13: memref<!tpu.dma_semaphore, #tpu.memory_space<semaphore_mem>>) attributes {dimension_semantics = [#tpu.dimension_semantics<core_parallel>, #tpu.dimension_semantics<subcore_parallel>], iteration_bounds = array<i64: 2, 16>, scalar_prefetch = 0 : i64, scratch_operands = 7 : i64, tpu.core_type = #tpu.core_type<sc_vector_subcore>, window_params = [{transform_indices = #map}, {transform_indices = #map1}, {transform_indices = #map1}, {transform_indices = #map}, {transform_indices = #map1}]} {
    %mul3A = arith.constant 16 : i32
    %mul3A_0 = arith.muli %arg0, %mul3A : i32
    %add3A = arith.addi %mul3A_0, %arg1 : i32
    %mul3A_1 = arith.constant 640 : i32
    %mul3A_2 = arith.muli %arg1, %mul3A_1 : i32
    "tpu.region"() ({
      %run_scoped3A_23 = tpu.sem_alloc : memref<!tpu.dma_semaphore, #tpu.memory_space<semaphore_mem>>
      %dma_start3A_24 = arith.constant 0 : i32
      %dma_start3A_25 = tpu.memref_slice %arg7[%mul3A_2, %dma_start3A_24] : memref<10240x64xf32, #tpu.memory_space<vmem_shared>> -> memref<640x64xf32, #tpu.memory_space<vmem_shared>>
      tpu.enqueue_dma source(%arg5 : memref<640x64xf32, #tpu.memory_space<hbm>>) target(%dma_start3A_25 : memref<640x64xf32, #tpu.memory_space<vmem_shared>>) target_semaphore(%run_scoped3A_23 : memref<!tpu.dma_semaphore, #tpu.memory_space<semaphore_mem>>)
      %dma_wait3A_26 = arith.constant 0 : i32
      %dma_wait3A_27 = tpu.memref_slice %arg7[%mul3A_2, %dma_wait3A_26] : memref<10240x64xf32, #tpu.memory_space<vmem_shared>> -> memref<640x64xf32, #tpu.memory_space<vmem_shared>>
      tpu.wait_dma2 semaphore(%run_scoped3A_23 : memref<!tpu.dma_semaphore, #tpu.memory_space<semaphore_mem>>) src(%arg5 : memref<640x64xf32, #tpu.memory_space<hbm>>) dst(%dma_wait3A_27 : memref<640x64xf32, #tpu.memory_space<vmem_shared>>)
      tpu.yield
    }) : () -> ()
    %barrier3A = arith.constant 0 : index
    tpu.barrier barrier_id(%barrier3A)
    "tpu.region"() ({
      %run_scoped3A_23 = tpu.sem_alloc : memref<!tpu.dma_semaphore, #tpu.memory_space<semaphore_mem>>
      %dma_start3A_24 = arith.constant 0 : i32
      %dma_start3A_25 = arith.constant 0 : i32
      %dma_start3A_26 = tpu.memref_slice %arg3[%add3A, %dma_start3A_24, %dma_start3A_25] : memref<32x157x64xi32, #tpu.memory_space<hbm>> -> memref<1x157x64xi32, #tpu.memory_space<hbm>>
      %dma_start3A_27 = tpu.memref_squeeze %dma_start3A_26 : memref<1x157x64xi32, #tpu.memory_space<hbm>> -> memref<157x64xi32, #tpu.memory_space<hbm>>
      %dma_start3A_28 = arith.constant 0 : i32
      %dma_start3A_29 = arith.constant 0 : i32
      %dma_start3A_30 = tpu.memref_slice %arg3[%add3A, %dma_start3A_28, %dma_start3A_29] : memref<32x157x64xi32, #tpu.memory_space<hbm>> -> memref<1x157x64xi32, #tpu.memory_space<hbm>>
      %dma_start3A_31 = tpu.memref_squeeze %dma_start3A_30 : memref<1x157x64xi32, #tpu.memory_space<hbm>> -> memref<157x64xi32, #tpu.memory_space<hbm>>
      tpu.enqueue_dma source(%dma_start3A_31 : memref<157x64xi32, #tpu.memory_space<hbm>>) target(%arg8 : memref<157x64xi32, #tpu.memory_space<vmem>>) target_semaphore(%run_scoped3A_23 : memref<!tpu.dma_semaphore, #tpu.memory_space<semaphore_mem>>)
      %dma_wait3A_32 = arith.constant 0 : i32
      %dma_wait3A_33 = arith.constant 0 : i32
      %dma_wait3A_34 = tpu.memref_slice %arg3[%add3A, %dma_wait3A_32, %dma_wait3A_33] : memref<32x157x64xi32, #tpu.memory_space<hbm>> -> memref<1x157x64xi32, #tpu.memory_space<hbm>>
      %dma_wait3A_35 = tpu.memref_squeeze %dma_wait3A_34 : memref<1x157x64xi32, #tpu.memory_space<hbm>> -> memref<157x64xi32, #tpu.memory_space<hbm>>
      %dma_wait3A_36 = arith.constant 0 : i32
      %dma_wait3A_37 = arith.constant 0 : i32
      %dma_wait3A_38 = tpu.memref_slice %arg3[%add3A, %dma_wait3A_36, %dma_wait3A_37] : memref<32x157x64xi32, #tpu.memory_space<hbm>> -> memref<1x157x64xi32, #tpu.memory_space<hbm>>
      %dma_wait3A_39 = tpu.memref_squeeze %dma_wait3A_38 : memref<1x157x64xi32, #tpu.memory_space<hbm>> -> memref<157x64xi32, #tpu.memory_space<hbm>>
      tpu.wait_dma2 semaphore(%run_scoped3A_23 : memref<!tpu.dma_semaphore, #tpu.memory_space<semaphore_mem>>) src(%dma_wait3A_39 : memref<157x64xi32, #tpu.memory_space<hbm>>) dst(%arg8 : memref<157x64xi32, #tpu.memory_space<vmem>>)
      tpu.yield
    }) : () -> ()
    "tpu.region"() ({
      %run_scoped3A_23 = tpu.sem_alloc : memref<!tpu.dma_semaphore, #tpu.memory_space<semaphore_mem>>
      %dma_start3A_24 = arith.constant 0 : i32
      %dma_start3A_25 = arith.constant 0 : i32
      %dma_start3A_26 = tpu.memref_slice %arg4[%add3A, %dma_start3A_24, %dma_start3A_25] : memref<32x157x64xi32, #tpu.memory_space<hbm>> -> memref<1x157x64xi32, #tpu.memory_space<hbm>>
      %dma_start3A_27 = tpu.memref_squeeze %dma_start3A_26 : memref<1x157x64xi32, #tpu.memory_space<hbm>> -> memref<157x64xi32, #tpu.memory_space<hbm>>
      %dma_start3A_28 = arith.constant 0 : i32
      %dma_start3A_29 = arith.constant 0 : i32
      %dma_start3A_30 = tpu.memref_slice %arg4[%add3A, %dma_start3A_28, %dma_start3A_29] : memref<32x157x64xi32, #tpu.memory_space<hbm>> -> memref<1x157x64xi32, #tpu.memory_space<hbm>>
      %dma_start3A_31 = tpu.memref_squeeze %dma_start3A_30 : memref<1x157x64xi32, #tpu.memory_space<hbm>> -> memref<157x64xi32, #tpu.memory_space<hbm>>
      tpu.enqueue_dma source(%dma_start3A_31 : memref<157x64xi32, #tpu.memory_space<hbm>>) target(%arg9 : memref<157x64xi32, #tpu.memory_space<vmem>>) target_semaphore(%run_scoped3A_23 : memref<!tpu.dma_semaphore, #tpu.memory_space<semaphore_mem>>)
      %dma_wait3A_32 = arith.constant 0 : i32
      %dma_wait3A_33 = arith.constant 0 : i32
      %dma_wait3A_34 = tpu.memref_slice %arg4[%add3A, %dma_wait3A_32, %dma_wait3A_33] : memref<32x157x64xi32, #tpu.memory_space<hbm>> -> memref<1x157x64xi32, #tpu.memory_space<hbm>>
      %dma_wait3A_35 = tpu.memref_squeeze %dma_wait3A_34 : memref<1x157x64xi32, #tpu.memory_space<hbm>> -> memref<157x64xi32, #tpu.memory_space<hbm>>
      %dma_wait3A_36 = arith.constant 0 : i32
      %dma_wait3A_37 = arith.constant 0 : i32
      %dma_wait3A_38 = tpu.memref_slice %arg4[%add3A, %dma_wait3A_36, %dma_wait3A_37] : memref<32x157x64xi32, #tpu.memory_space<hbm>> -> memref<1x157x64xi32, #tpu.memory_space<hbm>>
      %dma_wait3A_39 = tpu.memref_squeeze %dma_wait3A_38 : memref<1x157x64xi32, #tpu.memory_space<hbm>> -> memref<157x64xi32, #tpu.memory_space<hbm>>
      tpu.wait_dma2 semaphore(%run_scoped3A_23 : memref<!tpu.dma_semaphore, #tpu.memory_space<semaphore_mem>>) src(%dma_wait3A_39 : memref<157x64xi32, #tpu.memory_space<hbm>>) dst(%arg9 : memref<157x64xi32, #tpu.memory_space<vmem>>)
      tpu.yield
    }) : () -> ()
    %dma_start3A = arith.constant 0 : i32
    %dma_start3A_3 = arith.constant 0 : i32
    %dma_start3A_4 = tpu.memref_slice %arg8[%dma_start3A, %dma_start3A_3] : memref<157x64xi32, #tpu.memory_space<vmem>> -> memref<1x64xi32, #tpu.memory_space<vmem>>
    %dma_start3A_5 = tpu.memref_squeeze %dma_start3A_4 : memref<1x64xi32, #tpu.memory_space<vmem>> -> memref<64xi32, #tpu.memory_space<vmem>>
    %dma_start3A_6 = arith.constant 0 : i32
    %dma_start3A_7 = arith.constant 0 : i32
    %dma_start3A_8 = tpu.memref_slice %arg2[%dma_start3A_6, %dma_start3A_7] : memref<10240x64xf32, #tpu.memory_space<hbm>> -> memref<10240x64xf32, #tpu.memory_space<hbm>>
    tpu.enqueue_indirect_dma source(%dma_start3A_8 : memref<10240x64xf32, #tpu.memory_space<hbm>>) target(%arg10 : memref<64x64xf32, #tpu.memory_space<vmem>>) offsets(%dma_start3A_5 : memref<64xi32, #tpu.memory_space<vmem>>) semaphore(%arg12 : memref<!tpu.dma_semaphore, #tpu.memory_space<semaphore_mem>>)
    %scan3A = arith.constant 0 : i32
    %scan3A_9 = arith.constant 0 : i32
    %scan3A_10 = arith.constant 78 : i32
    %scan3A_11 = arith.addi %scan3A_9, %scan3A_10 : i32
    %scan3A_12 = arith.constant 1 : i32
    scf.for %scan3A_23 = %scan3A_9 to %scan3A_11 step %scan3A_12  : i32 {
      %mul3A_24 = arith.constant 2 : i32
      %mul3A_25 = arith.muli %mul3A_24, %scan3A_23 : i32
      %dma_wait3A_26 = arith.constant 0 : i32
      %dma_wait3A_27 = tpu.memref_slice %arg8[%mul3A_25, %dma_wait3A_26] : memref<157x64xi32, #tpu.memory_space<vmem>> -> memref<1x64xi32, #tpu.memory_space<vmem>>
      %dma_wait3A_28 = tpu.memref_squeeze %dma_wait3A_27 : memref<1x64xi32, #tpu.memory_space<vmem>> -> memref<64xi32, #tpu.memory_space<vmem>>
      %dma_wait3A_29 = arith.constant 0 : i32
      %dma_wait3A_30 = arith.constant 0 : i32
      %dma_wait3A_31 = tpu.memref_slice %arg2[%dma_wait3A_29, %dma_wait3A_30] : memref<10240x64xf32, #tpu.memory_space<hbm>> -> memref<10240x64xf32, #tpu.memory_space<hbm>>
      tpu.wait_indirect_dma semaphore(%arg12 : memref<!tpu.dma_semaphore, #tpu.memory_space<semaphore_mem>>) src(%dma_wait3A_31 : memref<10240x64xf32, #tpu.memory_space<hbm>>) dst(%arg10 : memref<64x64xf32, #tpu.memory_space<vmem>>)
      %add3A_32 = arith.constant 1 : i32
      %add3A_33 = arith.addi %mul3A_25, %add3A_32 : i32
      %dma_start3A_34 = arith.constant 0 : i32
      %dma_start3A_35 = tpu.memref_slice %arg8[%add3A_33, %dma_start3A_34] : memref<157x64xi32, #tpu.memory_space<vmem>> -> memref<1x64xi32, #tpu.memory_space<vmem>>
      %dma_start3A_36 = tpu.memref_squeeze %dma_start3A_35 : memref<1x64xi32, #tpu.memory_space<vmem>> -> memref<64xi32, #tpu.memory_space<vmem>>
      %dma_start3A_37 = arith.constant 0 : i32
      %dma_start3A_38 = arith.constant 0 : i32
      %dma_start3A_39 = tpu.memref_slice %arg2[%dma_start3A_37, %dma_start3A_38] : memref<10240x64xf32, #tpu.memory_space<hbm>> -> memref<10240x64xf32, #tpu.memory_space<hbm>>
      tpu.enqueue_indirect_dma source(%dma_start3A_39 : memref<10240x64xf32, #tpu.memory_space<hbm>>) target(%arg11 : memref<64x64xf32, #tpu.memory_space<vmem>>) offsets(%dma_start3A_36 : memref<64xi32, #tpu.memory_space<vmem>>) semaphore(%arg13 : memref<!tpu.dma_semaphore, #tpu.memory_space<semaphore_mem>>)
      "tpu.region"() ({
        %run_scoped3A_58 = tpu.sem_alloc : memref<!tpu.dma_semaphore, #tpu.memory_space<semaphore_mem>>
        %dma_start3A_59 = arith.constant 0 : i32
        %dma_start3A_60 = tpu.memref_slice %arg9[%mul3A_25, %dma_start3A_59] : memref<157x64xi32, #tpu.memory_space<vmem>> -> memref<1x64xi32, #tpu.memory_space<vmem>>
        %dma_start3A_61 = tpu.memref_squeeze %dma_start3A_60 : memref<1x64xi32, #tpu.memory_space<vmem>> -> memref<64xi32, #tpu.memory_space<vmem>>
        %dma_start3A_62 = arith.constant 0 : i32
        %dma_start3A_63 = arith.constant 0 : i32
        %dma_start3A_64 = tpu.memref_slice %arg7[%dma_start3A_62, %dma_start3A_63] : memref<10240x64xf32, #tpu.memory_space<vmem_shared>> -> memref<10240x64xf32, #tpu.memory_space<vmem_shared>>
        tpu.enqueue_indirect_dma source(%arg10 : memref<64x64xf32, #tpu.memory_space<vmem>>) target(%dma_start3A_64 : memref<10240x64xf32, #tpu.memory_space<vmem_shared>>) offsets(%dma_start3A_61 : memref<64xi32, #tpu.memory_space<vmem>>) semaphore(%run_scoped3A_58 : memref<!tpu.dma_semaphore, #tpu.memory_space<semaphore_mem>>) {add = true}
        %dma_wait3A_65 = arith.constant 0 : i32
        %dma_wait3A_66 = tpu.memref_slice %arg9[%mul3A_25, %dma_wait3A_65] : memref<157x64xi32, #tpu.memory_space<vmem>> -> memref<1x64xi32, #tpu.memory_space<vmem>>
        %dma_wait3A_67 = tpu.memref_squeeze %dma_wait3A_66 : memref<1x64xi32, #tpu.memory_space<vmem>> -> memref<64xi32, #tpu.memory_space<vmem>>
        %dma_wait3A_68 = arith.constant 0 : i32
        %dma_wait3A_69 = arith.constant 0 : i32
        %dma_wait3A_70 = tpu.memref_slice %arg7[%dma_wait3A_68, %dma_wait3A_69] : memref<10240x64xf32, #tpu.memory_space<vmem_shared>> -> memref<10240x64xf32, #tpu.memory_space<vmem_shared>>
        tpu.wait_indirect_dma semaphore(%run_scoped3A_58 : memref<!tpu.dma_semaphore, #tpu.memory_space<semaphore_mem>>) src(%arg10 : memref<64x64xf32, #tpu.memory_space<vmem>>) dst(%dma_wait3A_70 : memref<10240x64xf32, #tpu.memory_space<vmem_shared>>)
        tpu.yield
      }) : () -> ()
      %add3A_40 = arith.constant 1 : i32
      %add3A_41 = arith.addi %mul3A_25, %add3A_40 : i32
      %dma_wait3A_42 = arith.constant 0 : i32
      %dma_wait3A_43 = tpu.memref_slice %arg8[%add3A_41, %dma_wait3A_42] : memref<157x64xi32, #tpu.memory_space<vmem>> -> memref<1x64xi32, #tpu.memory_space<vmem>>
      %dma_wait3A_44 = tpu.memref_squeeze %dma_wait3A_43 : memref<1x64xi32, #tpu.memory_space<vmem>> -> memref<64xi32, #tpu.memory_space<vmem>>
      %dma_wait3A_45 = arith.constant 0 : i32
      %dma_wait3A_46 = arith.constant 0 : i32
      %dma_wait3A_47 = tpu.memref_slice %arg2[%dma_wait3A_45, %dma_wait3A_46] : memref<10240x64xf32, #tpu.memory_space<hbm>> -> memref<10240x64xf32, #tpu.memory_space<hbm>>
      tpu.wait_indirect_dma semaphore(%arg13 : memref<!tpu.dma_semaphore, #tpu.memory_space<semaphore_mem>>) src(%dma_wait3A_47 : memref<10240x64xf32, #tpu.memory_space<hbm>>) dst(%arg11 : memref<64x64xf32, #tpu.memory_space<vmem>>)
      %add3A_48 = arith.constant 2 : i32
      %add3A_49 = arith.addi %mul3A_25, %add3A_48 : i32
      %dma_start3A_50 = arith.constant 0 : i32
      %dma_start3A_51 = tpu.memref_slice %arg8[%add3A_49, %dma_start3A_50] : memref<157x64xi32, #tpu.memory_space<vmem>> -> memref<1x64xi32, #tpu.memory_space<vmem>>
      %dma_start3A_52 = tpu.memref_squeeze %dma_start3A_51 : memref<1x64xi32, #tpu.memory_space<vmem>> -> memref<64xi32, #tpu.memory_space<vmem>>
      %dma_start3A_53 = arith.constant 0 : i32
      %dma_start3A_54 = arith.constant 0 : i32
      %dma_start3A_55 = tpu.memref_slice %arg2[%dma_start3A_53, %dma_start3A_54] : memref<10240x64xf32, #tpu.memory_space<hbm>> -> memref<10240x64xf32, #tpu.memory_space<hbm>>
      tpu.enqueue_indirect_dma source(%dma_start3A_55 : memref<10240x64xf32, #tpu.memory_space<hbm>>) target(%arg10 : memref<64x64xf32, #tpu.memory_space<vmem>>) offsets(%dma_start3A_52 : memref<64xi32, #tpu.memory_space<vmem>>) semaphore(%arg12 : memref<!tpu.dma_semaphore, #tpu.memory_space<semaphore_mem>>)
      %add3A_56 = arith.constant 1 : i32
      %add3A_57 = arith.addi %mul3A_25, %add3A_56 : i32
      "tpu.region"() ({
        %run_scoped3A_58 = tpu.sem_alloc : memref<!tpu.dma_semaphore, #tpu.memory_space<semaphore_mem>>
        %dma_start3A_59 = arith.constant 0 : i32
        %dma_start3A_60 = tpu.memref_slice %arg9[%add3A_57, %dma_start3A_59] : memref<157x64xi32, #tpu.memory_space<vmem>> -> memref<1x64xi32, #tpu.memory_space<vmem>>
        %dma_start3A_61 = tpu.memref_squeeze %dma_start3A_60 : memref<1x64xi32, #tpu.memory_space<vmem>> -> memref<64xi32, #tpu.memory_space<vmem>>
        %dma_start3A_62 = arith.constant 0 : i32
        %dma_start3A_63 = arith.constant 0 : i32
        %dma_start3A_64 = tpu.memref_slice %arg7[%dma_start3A_62, %dma_start3A_63] : memref<10240x64xf32, #tpu.memory_space<vmem_shared>> -> memref<10240x64xf32, #tpu.memory_space<vmem_shared>>
        tpu.enqueue_indirect_dma source(%arg11 : memref<64x64xf32, #tpu.memory_space<vmem>>) target(%dma_start3A_64 : memref<10240x64xf32, #tpu.memory_space<vmem_shared>>) offsets(%dma_start3A_61 : memref<64xi32, #tpu.memory_space<vmem>>) semaphore(%run_scoped3A_58 : memref<!tpu.dma_semaphore, #tpu.memory_space<semaphore_mem>>) {add = true}
        %dma_wait3A_65 = arith.constant 0 : i32
        %dma_wait3A_66 = tpu.memref_slice %arg9[%add3A_57, %dma_wait3A_65] : memref<157x64xi32, #tpu.memory_space<vmem>> -> memref<1x64xi32, #tpu.memory_space<vmem>>
        %dma_wait3A_67 = tpu.memref_squeeze %dma_wait3A_66 : memref<1x64xi32, #tpu.memory_space<vmem>> -> memref<64xi32, #tpu.memory_space<vmem>>
        %dma_wait3A_68 = arith.constant 0 : i32
        %dma_wait3A_69 = arith.constant 0 : i32
        %dma_wait3A_70 = tpu.memref_slice %arg7[%dma_wait3A_68, %dma_wait3A_69] : memref<10240x64xf32, #tpu.memory_space<vmem_shared>> -> memref<10240x64xf32, #tpu.memory_space<vmem_shared>>
        tpu.wait_indirect_dma semaphore(%run_scoped3A_58 : memref<!tpu.dma_semaphore, #tpu.memory_space<semaphore_mem>>) src(%arg11 : memref<64x64xf32, #tpu.memory_space<vmem>>) dst(%dma_wait3A_70 : memref<10240x64xf32, #tpu.memory_space<vmem_shared>>)
        tpu.yield
      }) : () -> ()
    }
    %scan3A_13 = arith.constant 78 : i32
    %dma_wait3A = arith.constant 156 : i32
    %dma_wait3A_14 = arith.constant 0 : i32
    %dma_wait3A_15 = tpu.memref_slice %arg8[%dma_wait3A, %dma_wait3A_14] : memref<157x64xi32, #tpu.memory_space<vmem>> -> memref<1x64xi32, #tpu.memory_space<vmem>>
    %dma_wait3A_16 = tpu.memref_squeeze %dma_wait3A_15 : memref<1x64xi32, #tpu.memory_space<vmem>> -> memref<64xi32, #tpu.memory_space<vmem>>
    %dma_wait3A_17 = arith.constant 0 : i32
    %dma_wait3A_18 = arith.constant 0 : i32
    %dma_wait3A_19 = tpu.memref_slice %arg2[%dma_wait3A_17, %dma_wait3A_18] : memref<10240x64xf32, #tpu.memory_space<hbm>> -> memref<10240x64xf32, #tpu.memory_space<hbm>>
    tpu.wait_indirect_dma semaphore(%arg12 : memref<!tpu.dma_semaphore, #tpu.memory_space<semaphore_mem>>) src(%dma_wait3A_19 : memref<10240x64xf32, #tpu.memory_space<hbm>>) dst(%arg10 : memref<64x64xf32, #tpu.memory_space<vmem>>)
    %run_scoped3A = arith.constant 156 : i32
    "tpu.region"() ({
      %run_scoped3A_23 = tpu.sem_alloc : memref<!tpu.dma_semaphore, #tpu.memory_space<semaphore_mem>>
      %dma_start3A_24 = arith.constant 0 : i32
      %dma_start3A_25 = tpu.memref_slice %arg9[%run_scoped3A, %dma_start3A_24] : memref<157x64xi32, #tpu.memory_space<vmem>> -> memref<1x64xi32, #tpu.memory_space<vmem>>
      %dma_start3A_26 = tpu.memref_squeeze %dma_start3A_25 : memref<1x64xi32, #tpu.memory_space<vmem>> -> memref<64xi32, #tpu.memory_space<vmem>>
      %dma_start3A_27 = arith.constant 0 : i32
      %dma_start3A_28 = arith.constant 0 : i32
      %dma_start3A_29 = tpu.memref_slice %arg7[%dma_start3A_27, %dma_start3A_28] : memref<10240x64xf32, #tpu.memory_space<vmem_shared>> -> memref<10240x64xf32, #tpu.memory_space<vmem_shared>>
      tpu.enqueue_indirect_dma source(%arg10 : memref<64x64xf32, #tpu.memory_space<vmem>>) target(%dma_start3A_29 : memref<10240x64xf32, #tpu.memory_space<vmem_shared>>) offsets(%dma_start3A_26 : memref<64xi32, #tpu.memory_space<vmem>>) semaphore(%run_scoped3A_23 : memref<!tpu.dma_semaphore, #tpu.memory_space<semaphore_mem>>) {add = true}
      %dma_wait3A_30 = arith.constant 0 : i32
      %dma_wait3A_31 = tpu.memref_slice %arg9[%run_scoped3A, %dma_wait3A_30] : memref<157x64xi32, #tpu.memory_space<vmem>> -> memref<1x64xi32, #tpu.memory_space<vmem>>
      %dma_wait3A_32 = tpu.memref_squeeze %dma_wait3A_31 : memref<1x64xi32, #tpu.memory_space<vmem>> -> memref<64xi32, #tpu.memory_space<vmem>>
      %dma_wait3A_33 = arith.constant 0 : i32
      %dma_wait3A_34 = arith.constant 0 : i32
      %dma_wait3A_35 = tpu.memref_slice %arg7[%dma_wait3A_33, %dma_wait3A_34] : memref<10240x64xf32, #tpu.memory_space<vmem_shared>> -> memref<10240x64xf32, #tpu.memory_space<vmem_shared>>
      tpu.wait_indirect_dma semaphore(%run_scoped3A_23 : memref<!tpu.dma_semaphore, #tpu.memory_space<semaphore_mem>>) src(%arg10 : memref<64x64xf32, #tpu.memory_space<vmem>>) dst(%dma_wait3A_35 : memref<10240x64xf32, #tpu.memory_space<vmem_shared>>)
      tpu.yield
    }) : () -> ()
    %barrier3A_20 = arith.constant 0 : index
    tpu.barrier barrier_id(%barrier3A_20)
    %mul3A_21 = arith.constant 640 : i32
    %mul3A_22 = arith.muli %arg1, %mul3A_21 : i32
    "tpu.region"() ({
      %run_scoped3A_23 = tpu.sem_alloc : memref<!tpu.dma_semaphore, #tpu.memory_space<semaphore_mem>>
      %dma_start3A_24 = arith.constant 0 : i32
      %dma_start3A_25 = tpu.memref_slice %arg6[%arg0, %mul3A_22, %dma_start3A_24] : memref<2x10240x64xf32, #tpu.memory_space<hbm>> -> memref<1x640x64xf32, #tpu.memory_space<hbm>>
      %dma_start3A_26 = tpu.memref_squeeze %dma_start3A_25 : memref<1x640x64xf32, #tpu.memory_space<hbm>> -> memref<640x64xf32, #tpu.memory_space<hbm>>
      %dma_start3A_27 = arith.constant 0 : i32
      %dma_start3A_28 = tpu.memref_slice %arg7[%mul3A_22, %dma_start3A_27] : memref<10240x64xf32, #tpu.memory_space<vmem_shared>> -> memref<640x64xf32, #tpu.memory_space<vmem_shared>>
      tpu.enqueue_dma source(%dma_start3A_28 : memref<640x64xf32, #tpu.memory_space<vmem_shared>>) target(%dma_start3A_26 : memref<640x64xf32, #tpu.memory_space<hbm>>) target_semaphore(%run_scoped3A_23 : memref<!tpu.dma_semaphore, #tpu.memory_space<semaphore_mem>>)
      %dma_wait3A_29 = arith.constant 0 : i32
      %dma_wait3A_30 = tpu.memref_slice %arg6[%arg0, %mul3A_22, %dma_wait3A_29] : memref<2x10240x64xf32, #tpu.memory_space<hbm>> -> memref<1x640x64xf32, #tpu.memory_space<hbm>>
      %dma_wait3A_31 = tpu.memref_squeeze %dma_wait3A_30 : memref<1x640x64xf32, #tpu.memory_space<hbm>> -> memref<640x64xf32, #tpu.memory_space<hbm>>
      %dma_wait3A_32 = arith.constant 0 : i32
      %dma_wait3A_33 = tpu.memref_slice %arg7[%mul3A_22, %dma_wait3A_32] : memref<10240x64xf32, #tpu.memory_space<vmem_shared>> -> memref<640x64xf32, #tpu.memory_space<vmem_shared>>
      tpu.wait_dma2 semaphore(%run_scoped3A_23 : memref<!tpu.dma_semaphore, #tpu.memory_space<semaphore_mem>>) src(%dma_wait3A_33 : memref<640x64xf32, #tpu.memory_space<vmem_shared>>) dst(%dma_wait3A_31 : memref<640x64xf32, #tpu.memory_space<hbm>>)
      tpu.yield
    }) : () -> ()
    return
  }
}

#map = affine_map<(d0, d1) -> (0, 0, 0)>
#map1 = affine_map<(d0, d1) -> (0, 0)>
module attributes {stable_mosaic.version = 14 : i64} {
  func.func @deg_kernel(%arg0: i32, %arg1: i32, %arg2: memref<32x157x64xi32, #tpu.memory_space<hbm>>, %arg3: memref<640x16xf32, #tpu.memory_space<hbm>>, %arg4: memref<2x10240x16xf32, #tpu.memory_space<hbm>>, %arg5: memref<10240x16xf32, #tpu.memory_space<vmem_shared>>, %arg6: memref<157x64xi32, #tpu.memory_space<vmem>>, %arg7: memref<64x16xf32, #tpu.memory_space<vmem>>) attributes {dimension_semantics = [#tpu.dimension_semantics<core_parallel>, #tpu.dimension_semantics<subcore_parallel>], iteration_bounds = array<i64: 2, 16>, scalar_prefetch = 0 : i64, scratch_operands = 3 : i64, tpu.core_type = #tpu.core_type<sc_vector_subcore>, window_params = [{transform_indices = #map}, {transform_indices = #map1}, {transform_indices = #map}]} {
    %mul3A = arith.constant 16 : i32
    %mul3A_0 = arith.muli %arg0, %mul3A : i32
    %add3A = arith.addi %mul3A_0, %arg1 : i32
    %mul3A_1 = arith.constant 640 : i32
    %mul3A_2 = arith.muli %arg1, %mul3A_1 : i32
    "tpu.region"() ({
      %run_scoped3A = tpu.sem_alloc : memref<!tpu.dma_semaphore, #tpu.memory_space<semaphore_mem>>
      %dma_start3A = arith.constant 0 : i32
      %dma_start3A_521 = tpu.memref_slice %arg5[%mul3A_2, %dma_start3A] : memref<10240x16xf32, #tpu.memory_space<vmem_shared>> -> memref<640x16xf32, #tpu.memory_space<vmem_shared>>
      tpu.enqueue_dma source(%arg3 : memref<640x16xf32, #tpu.memory_space<hbm>>) target(%dma_start3A_521 : memref<640x16xf32, #tpu.memory_space<vmem_shared>>) target_semaphore(%run_scoped3A : memref<!tpu.dma_semaphore, #tpu.memory_space<semaphore_mem>>)
      %dma_wait3A = arith.constant 0 : i32
      %dma_wait3A_522 = tpu.memref_slice %arg5[%mul3A_2, %dma_wait3A] : memref<10240x16xf32, #tpu.memory_space<vmem_shared>> -> memref<640x16xf32, #tpu.memory_space<vmem_shared>>
      tpu.wait_dma2 semaphore(%run_scoped3A : memref<!tpu.dma_semaphore, #tpu.memory_space<semaphore_mem>>) src(%arg3 : memref<640x16xf32, #tpu.memory_space<hbm>>) dst(%dma_wait3A_522 : memref<640x16xf32, #tpu.memory_space<vmem_shared>>)
      tpu.yield
    }) : () -> ()
    %broadcast_in_dim3A = arith.constant 1.000000e+00 : f32
    %broadcast_in_dim3A_3 = vector.broadcast %broadcast_in_dim3A : f32 to vector<16xf32>
    %swap3A = arith.constant 0 : i32
    %swap3A_4 = arith.index_cast %swap3A : i32 to index
    %swap3A_5 = arith.constant 0 : index
    %swap3A_6 = tpu.vector_load %arg7[%swap3A_4, %swap3A_5] {strides = array<i32>} : memref<64x16xf32, #tpu.memory_space<vmem>>, vector<1x16xf32>,
    %swap3A_7 = vector.shape_cast %swap3A_6 : vector<1x16xf32> to vector<16xf32>
    %swap3A_8 = vector.shape_cast %broadcast_in_dim3A_3 : vector<16xf32> to vector<1x16xf32>
    tpu.vector_store %arg7[%swap3A_4, %swap3A_5], %swap3A_8 {strides = array<i32>} : memref<64x16xf32, #tpu.memory_space<vmem>>, vector<1x16xf32>,
    %broadcast_in_dim3A_9 = arith.constant 1.000000e+00 : f32
    %broadcast_in_dim3A_10 = vector.broadcast %broadcast_in_dim3A_9 : f32 to vector<16xf32>
    %swap3A_11 = arith.constant 1 : i32
    %swap3A_12 = arith.index_cast %swap3A_11 : i32 to index
    %swap3A_13 = arith.constant 0 : index
    %swap3A_14 = tpu.vector_load %arg7[%swap3A_12, %swap3A_13] {strides = array<i32>} : memref<64x16xf32, #tpu.memory_space<vmem>>, vector<1x16xf32>,
    %swap3A_15 = vector.shape_cast %swap3A_14 : vector<1x16xf32> to vector<16xf32>
    %swap3A_16 = vector.shape_cast %broadcast_in_dim3A_10 : vector<16xf32> to vector<1x16xf32>
    tpu.vector_store %arg7[%swap3A_12, %swap3A_13], %swap3A_16 {strides = array<i32>} : memref<64x16xf32, #tpu.memory_space<vmem>>, vector<1x16xf32>,
    %broadcast_in_dim3A_17 = arith.constant 1.000000e+00 : f32
    %broadcast_in_dim3A_18 = vector.broadcast %broadcast_in_dim3A_17 : f32 to vector<16xf32>
    %swap3A_19 = arith.constant 2 : i32
    %swap3A_20 = arith.index_cast %swap3A_19 : i32 to index
    %swap3A_21 = arith.constant 0 : index
    %swap3A_22 = tpu.vector_load %arg7[%swap3A_20, %swap3A_21] {strides = array<i32>} : memref<64x16xf32, #tpu.memory_space<vmem>>, vector<1x16xf32>,
    %swap3A_23 = vector.shape_cast %swap3A_22 : vector<1x16xf32> to vector<16xf32>
    %swap3A_24 = vector.shape_cast %broadcast_in_dim3A_18 : vector<16xf32> to vector<1x16xf32>
    tpu.vector_store %arg7[%swap3A_20, %swap3A_21], %swap3A_24 {strides = array<i32>} : memref<64x16xf32, #tpu.memory_space<vmem>>, vector<1x16xf32>,
    %broadcast_in_dim3A_25 = arith.constant 1.000000e+00 : f32
    %broadcast_in_dim3A_26 = vector.broadcast %broadcast_in_dim3A_25 : f32 to vector<16xf32>
    %swap3A_27 = arith.constant 3 : i32
    %swap3A_28 = arith.index_cast %swap3A_27 : i32 to index
    %swap3A_29 = arith.constant 0 : index
    %swap3A_30 = tpu.vector_load %arg7[%swap3A_28, %swap3A_29] {strides = array<i32>} : memref<64x16xf32, #tpu.memory_space<vmem>>, vector<1x16xf32>,
    %swap3A_31 = vector.shape_cast %swap3A_30 : vector<1x16xf32> to vector<16xf32>
    %swap3A_32 = vector.shape_cast %broadcast_in_dim3A_26 : vector<16xf32> to vector<1x16xf32>
    tpu.vector_store %arg7[%swap3A_28, %swap3A_29], %swap3A_32 {strides = array<i32>} : memref<64x16xf32, #tpu.memory_space<vmem>>, vector<1x16xf32>,
    %broadcast_in_dim3A_33 = arith.constant 1.000000e+00 : f32
    %broadcast_in_dim3A_34 = vector.broadcast %broadcast_in_dim3A_33 : f32 to vector<16xf32>
    %swap3A_35 = arith.constant 4 : i32
    %swap3A_36 = arith.index_cast %swap3A_35 : i32 to index
    %swap3A_37 = arith.constant 0 : index
    %swap3A_38 = tpu.vector_load %arg7[%swap3A_36, %swap3A_37] {strides = array<i32>} : memref<64x16xf32, #tpu.memory_space<vmem>>, vector<1x16xf32>,
    %swap3A_39 = vector.shape_cast %swap3A_38 : vector<1x16xf32> to vector<16xf32>
    %swap3A_40 = vector.shape_cast %broadcast_in_dim3A_34 : vector<16xf32> to vector<1x16xf32>
    tpu.vector_store %arg7[%swap3A_36, %swap3A_37], %swap3A_40 {strides = array<i32>} : memref<64x16xf32, #tpu.memory_space<vmem>>, vector<1x16xf32>,
    %broadcast_in_dim3A_41 = arith.constant 1.000000e+00 : f32
    %broadcast_in_dim3A_42 = vector.broadcast %broadcast_in_dim3A_41 : f32 to vector<16xf32>
    %swap3A_43 = arith.constant 5 : i32
    %swap3A_44 = arith.index_cast %swap3A_43 : i32 to index
    %swap3A_45 = arith.constant 0 : index
    %swap3A_46 = tpu.vector_load %arg7[%swap3A_44, %swap3A_45] {strides = array<i32>} : memref<64x16xf32, #tpu.memory_space<vmem>>, vector<1x16xf32>,
    %swap3A_47 = vector.shape_cast %swap3A_46 : vector<1x16xf32> to vector<16xf32>
    %swap3A_48 = vector.shape_cast %broadcast_in_dim3A_42 : vector<16xf32> to vector<1x16xf32>
    tpu.vector_store %arg7[%swap3A_44, %swap3A_45], %swap3A_48 {strides = array<i32>} : memref<64x16xf32, #tpu.memory_space<vmem>>, vector<1x16xf32>,
    %broadcast_in_dim3A_49 = arith.constant 1.000000e+00 : f32
    %broadcast_in_dim3A_50 = vector.broadcast %broadcast_in_dim3A_49 : f32 to vector<16xf32>
    %swap3A_51 = arith.constant 6 : i32
    %swap3A_52 = arith.index_cast %swap3A_51 : i32 to index
    %swap3A_53 = arith.constant 0 : index
    %swap3A_54 = tpu.vector_load %arg7[%swap3A_52, %swap3A_53] {strides = array<i32>} : memref<64x16xf32, #tpu.memory_space<vmem>>, vector<1x16xf32>,
    %swap3A_55 = vector.shape_cast %swap3A_54 : vector<1x16xf32> to vector<16xf32>
    %swap3A_56 = vector.shape_cast %broadcast_in_dim3A_50 : vector<16xf32> to vector<1x16xf32>
    tpu.vector_store %arg7[%swap3A_52, %swap3A_53], %swap3A_56 {strides = array<i32>} : memref<64x16xf32, #tpu.memory_space<vmem>>, vector<1x16xf32>,
    %broadcast_in_dim3A_57 = arith.constant 1.000000e+00 : f32
    %broadcast_in_dim3A_58 = vector.broadcast %broadcast_in_dim3A_57 : f32 to vector<16xf32>
    %swap3A_59 = arith.constant 7 : i32
    %swap3A_60 = arith.index_cast %swap3A_59 : i32 to index
    %swap3A_61 = arith.constant 0 : index
    %swap3A_62 = tpu.vector_load %arg7[%swap3A_60, %swap3A_61] {strides = array<i32>} : memref<64x16xf32, #tpu.memory_space<vmem>>, vector<1x16xf32>,
    %swap3A_63 = vector.shape_cast %swap3A_62 : vector<1x16xf32> to vector<16xf32>
    %swap3A_64 = vector.shape_cast %broadcast_in_dim3A_58 : vector<16xf32> to vector<1x16xf32>
    tpu.vector_store %arg7[%swap3A_60, %swap3A_61], %swap3A_64 {strides = array<i32>} : memref<64x16xf32, #tpu.memory_space<vmem>>, vector<1x16xf32>,
    %broadcast_in_dim3A_65 = arith.constant 1.000000e+00 : f32
    %broadcast_in_dim3A_66 = vector.broadcast %broadcast_in_dim3A_65 : f32 to vector<16xf32>
    %swap3A_67 = arith.constant 8 : i32
    %swap3A_68 = arith.index_cast %swap3A_67 : i32 to index
    %swap3A_69 = arith.constant 0 : index
    %swap3A_70 = tpu.vector_load %arg7[%swap3A_68, %swap3A_69] {strides = array<i32>} : memref<64x16xf32, #tpu.memory_space<vmem>>, vector<1x16xf32>,
    %swap3A_71 = vector.shape_cast %swap3A_70 : vector<1x16xf32> to vector<16xf32>
    %swap3A_72 = vector.shape_cast %broadcast_in_dim3A_66 : vector<16xf32> to vector<1x16xf32>
    tpu.vector_store %arg7[%swap3A_68, %swap3A_69], %swap3A_72 {strides = array<i32>} : memref<64x16xf32, #tpu.memory_space<vmem>>, vector<1x16xf32>,
    %broadcast_in_dim3A_73 = arith.constant 1.000000e+00 : f32
    %broadcast_in_dim3A_74 = vector.broadcast %broadcast_in_dim3A_73 : f32 to vector<16xf32>
    %swap3A_75 = arith.constant 9 : i32
    %swap3A_76 = arith.index_cast %swap3A_75 : i32 to index
    %swap3A_77 = arith.constant 0 : index
    %swap3A_78 = tpu.vector_load %arg7[%swap3A_76, %swap3A_77] {strides = array<i32>} : memref<64x16xf32, #tpu.memory_space<vmem>>, vector<1x16xf32>,
    %swap3A_79 = vector.shape_cast %swap3A_78 : vector<1x16xf32> to vector<16xf32>
    %swap3A_80 = vector.shape_cast %broadcast_in_dim3A_74 : vector<16xf32> to vector<1x16xf32>
    tpu.vector_store %arg7[%swap3A_76, %swap3A_77], %swap3A_80 {strides = array<i32>} : memref<64x16xf32, #tpu.memory_space<vmem>>, vector<1x16xf32>,
    %broadcast_in_dim3A_81 = arith.constant 1.000000e+00 : f32
    %broadcast_in_dim3A_82 = vector.broadcast %broadcast_in_dim3A_81 : f32 to vector<16xf32>
    %swap3A_83 = arith.constant 10 : i32
    %swap3A_84 = arith.index_cast %swap3A_83 : i32 to index
    %swap3A_85 = arith.constant 0 : index
    %swap3A_86 = tpu.vector_load %arg7[%swap3A_84, %swap3A_85] {strides = array<i32>} : memref<64x16xf32, #tpu.memory_space<vmem>>, vector<1x16xf32>,
    %swap3A_87 = vector.shape_cast %swap3A_86 : vector<1x16xf32> to vector<16xf32>
    %swap3A_88 = vector.shape_cast %broadcast_in_dim3A_82 : vector<16xf32> to vector<1x16xf32>
    tpu.vector_store %arg7[%swap3A_84, %swap3A_85], %swap3A_88 {strides = array<i32>} : memref<64x16xf32, #tpu.memory_space<vmem>>, vector<1x16xf32>,
    %broadcast_in_dim3A_89 = arith.constant 1.000000e+00 : f32
    %broadcast_in_dim3A_90 = vector.broadcast %broadcast_in_dim3A_89 : f32 to vector<16xf32>
    %swap3A_91 = arith.constant 11 : i32
    %swap3A_92 = arith.index_cast %swap3A_91 : i32 to index
    %swap3A_93 = arith.constant 0 : index
    %swap3A_94 = tpu.vector_load %arg7[%swap3A_92, %swap3A_93] {strides = array<i32>} : memref<64x16xf32, #tpu.memory_space<vmem>>, vector<1x16xf32>,
    %swap3A_95 = vector.shape_cast %swap3A_94 : vector<1x16xf32> to vector<16xf32>
    %swap3A_96 = vector.shape_cast %broadcast_in_dim3A_90 : vector<16xf32> to vector<1x16xf32>
    tpu.vector_store %arg7[%swap3A_92, %swap3A_93], %swap3A_96 {strides = array<i32>} : memref<64x16xf32, #tpu.memory_space<vmem>>, vector<1x16xf32>,
    %broadcast_in_dim3A_97 = arith.constant 1.000000e+00 : f32
    %broadcast_in_dim3A_98 = vector.broadcast %broadcast_in_dim3A_97 : f32 to vector<16xf32>
    %swap3A_99 = arith.constant 12 : i32
    %swap3A_100 = arith.index_cast %swap3A_99 : i32 to index
    %swap3A_101 = arith.constant 0 : index
    %swap3A_102 = tpu.vector_load %arg7[%swap3A_100, %swap3A_101] {strides = array<i32>} : memref<64x16xf32, #tpu.memory_space<vmem>>, vector<1x16xf32>,
    %swap3A_103 = vector.shape_cast %swap3A_102 : vector<1x16xf32> to vector<16xf32>
    %swap3A_104 = vector.shape_cast %broadcast_in_dim3A_98 : vector<16xf32> to vector<1x16xf32>
    tpu.vector_store %arg7[%swap3A_100, %swap3A_101], %swap3A_104 {strides = array<i32>} : memref<64x16xf32, #tpu.memory_space<vmem>>, vector<1x16xf32>,
    %broadcast_in_dim3A_105 = arith.constant 1.000000e+00 : f32
    %broadcast_in_dim3A_106 = vector.broadcast %broadcast_in_dim3A_105 : f32 to vector<16xf32>
    %swap3A_107 = arith.constant 13 : i32
    %swap3A_108 = arith.index_cast %swap3A_107 : i32 to index
    %swap3A_109 = arith.constant 0 : index
    %swap3A_110 = tpu.vector_load %arg7[%swap3A_108, %swap3A_109] {strides = array<i32>} : memref<64x16xf32, #tpu.memory_space<vmem>>, vector<1x16xf32>,
    %swap3A_111 = vector.shape_cast %swap3A_110 : vector<1x16xf32> to vector<16xf32>
    %swap3A_112 = vector.shape_cast %broadcast_in_dim3A_106 : vector<16xf32> to vector<1x16xf32>
    tpu.vector_store %arg7[%swap3A_108, %swap3A_109], %swap3A_112 {strides = array<i32>} : memref<64x16xf32, #tpu.memory_space<vmem>>, vector<1x16xf32>,
    %broadcast_in_dim3A_113 = arith.constant 1.000000e+00 : f32
    %broadcast_in_dim3A_114 = vector.broadcast %broadcast_in_dim3A_113 : f32 to vector<16xf32>
    %swap3A_115 = arith.constant 14 : i32
    %swap3A_116 = arith.index_cast %swap3A_115 : i32 to index
    %swap3A_117 = arith.constant 0 : index
    %swap3A_118 = tpu.vector_load %arg7[%swap3A_116, %swap3A_117] {strides = array<i32>} : memref<64x16xf32, #tpu.memory_space<vmem>>, vector<1x16xf32>,
    %swap3A_119 = vector.shape_cast %swap3A_118 : vector<1x16xf32> to vector<16xf32>
    %swap3A_120 = vector.shape_cast %broadcast_in_dim3A_114 : vector<16xf32> to vector<1x16xf32>
    tpu.vector_store %arg7[%swap3A_116, %swap3A_117], %swap3A_120 {strides = array<i32>} : memref<64x16xf32, #tpu.memory_space<vmem>>, vector<1x16xf32>,
    %broadcast_in_dim3A_121 = arith.constant 1.000000e+00 : f32
    %broadcast_in_dim3A_122 = vector.broadcast %broadcast_in_dim3A_121 : f32 to vector<16xf32>
    %swap3A_123 = arith.constant 15 : i32
    %swap3A_124 = arith.index_cast %swap3A_123 : i32 to index
    %swap3A_125 = arith.constant 0 : index
    %swap3A_126 = tpu.vector_load %arg7[%swap3A_124, %swap3A_125] {strides = array<i32>} : memref<64x16xf32, #tpu.memory_space<vmem>>, vector<1x16xf32>,
    %swap3A_127 = vector.shape_cast %swap3A_126 : vector<1x16xf32> to vector<16xf32>
    %swap3A_128 = vector.shape_cast %broadcast_in_dim3A_122 : vector<16xf32> to vector<1x16xf32>
    tpu.vector_store %arg7[%swap3A_124, %swap3A_125], %swap3A_128 {strides = array<i32>} : memref<64x16xf32, #tpu.memory_space<vmem>>, vector<1x16xf32>,
    %broadcast_in_dim3A_129 = arith.constant 1.000000e+00 : f32
    %broadcast_in_dim3A_130 = vector.broadcast %broadcast_in_dim3A_129 : f32 to vector<16xf32>
    %swap3A_131 = arith.constant 16 : i32
    %swap3A_132 = arith.index_cast %swap3A_131 : i32 to index
    %swap3A_133 = arith.constant 0 : index
    %swap3A_134 = tpu.vector_load %arg7[%swap3A_132, %swap3A_133] {strides = array<i32>} : memref<64x16xf32, #tpu.memory_space<vmem>>, vector<1x16xf32>,
    %swap3A_135 = vector.shape_cast %swap3A_134 : vector<1x16xf32> to vector<16xf32>
    %swap3A_136 = vector.shape_cast %broadcast_in_dim3A_130 : vector<16xf32> to vector<1x16xf32>
    tpu.vector_store %arg7[%swap3A_132, %swap3A_133], %swap3A_136 {strides = array<i32>} : memref<64x16xf32, #tpu.memory_space<vmem>>, vector<1x16xf32>,
    %broadcast_in_dim3A_137 = arith.constant 1.000000e+00 : f32
    %broadcast_in_dim3A_138 = vector.broadcast %broadcast_in_dim3A_137 : f32 to vector<16xf32>
    %swap3A_139 = arith.constant 17 : i32
    %swap3A_140 = arith.index_cast %swap3A_139 : i32 to index
    %swap3A_141 = arith.constant 0 : index
    %swap3A_142 = tpu.vector_load %arg7[%swap3A_140, %swap3A_141] {strides = array<i32>} : memref<64x16xf32, #tpu.memory_space<vmem>>, vector<1x16xf32>,
    %swap3A_143 = vector.shape_cast %swap3A_142 : vector<1x16xf32> to vector<16xf32>
    %swap3A_144 = vector.shape_cast %broadcast_in_dim3A_138 : vector<16xf32> to vector<1x16xf32>
    tpu.vector_store %arg7[%swap3A_140, %swap3A_141], %swap3A_144 {strides = array<i32>} : memref<64x16xf32, #tpu.memory_space<vmem>>, vector<1x16xf32>,
    %broadcast_in_dim3A_145 = arith.constant 1.000000e+00 : f32
    %broadcast_in_dim3A_146 = vector.broadcast %broadcast_in_dim3A_145 : f32 to vector<16xf32>
    %swap3A_147 = arith.constant 18 : i32
    %swap3A_148 = arith.index_cast %swap3A_147 : i32 to index
    %swap3A_149 = arith.constant 0 : index
    %swap3A_150 = tpu.vector_load %arg7[%swap3A_148, %swap3A_149] {strides = array<i32>} : memref<64x16xf32, #tpu.memory_space<vmem>>, vector<1x16xf32>,
    %swap3A_151 = vector.shape_cast %swap3A_150 : vector<1x16xf32> to vector<16xf32>
    %swap3A_152 = vector.shape_cast %broadcast_in_dim3A_146 : vector<16xf32> to vector<1x16xf32>
    tpu.vector_store %arg7[%swap3A_148, %swap3A_149], %swap3A_152 {strides = array<i32>} : memref<64x16xf32, #tpu.memory_space<vmem>>, vector<1x16xf32>,
    %broadcast_in_dim3A_153 = arith.constant 1.000000e+00 : f32
    %broadcast_in_dim3A_154 = vector.broadcast %broadcast_in_dim3A_153 : f32 to vector<16xf32>
    %swap3A_155 = arith.constant 19 : i32
    %swap3A_156 = arith.index_cast %swap3A_155 : i32 to index
    %swap3A_157 = arith.constant 0 : index
    %swap3A_158 = tpu.vector_load %arg7[%swap3A_156, %swap3A_157] {strides = array<i32>} : memref<64x16xf32, #tpu.memory_space<vmem>>, vector<1x16xf32>,
    %swap3A_159 = vector.shape_cast %swap3A_158 : vector<1x16xf32> to vector<16xf32>
    %swap3A_160 = vector.shape_cast %broadcast_in_dim3A_154 : vector<16xf32> to vector<1x16xf32>
    tpu.vector_store %arg7[%swap3A_156, %swap3A_157], %swap3A_160 {strides = array<i32>} : memref<64x16xf32, #tpu.memory_space<vmem>>, vector<1x16xf32>,
    %broadcast_in_dim3A_161 = arith.constant 1.000000e+00 : f32
    %broadcast_in_dim3A_162 = vector.broadcast %broadcast_in_dim3A_161 : f32 to vector<16xf32>
    %swap3A_163 = arith.constant 20 : i32
    %swap3A_164 = arith.index_cast %swap3A_163 : i32 to index
    %swap3A_165 = arith.constant 0 : index
    %swap3A_166 = tpu.vector_load %arg7[%swap3A_164, %swap3A_165] {strides = array<i32>} : memref<64x16xf32, #tpu.memory_space<vmem>>, vector<1x16xf32>,
    %swap3A_167 = vector.shape_cast %swap3A_166 : vector<1x16xf32> to vector<16xf32>
    %swap3A_168 = vector.shape_cast %broadcast_in_dim3A_162 : vector<16xf32> to vector<1x16xf32>
    tpu.vector_store %arg7[%swap3A_164, %swap3A_165], %swap3A_168 {strides = array<i32>} : memref<64x16xf32, #tpu.memory_space<vmem>>, vector<1x16xf32>,
    %broadcast_in_dim3A_169 = arith.constant 1.000000e+00 : f32
    %broadcast_in_dim3A_170 = vector.broadcast %broadcast_in_dim3A_169 : f32 to vector<16xf32>
    %swap3A_171 = arith.constant 21 : i32
    %swap3A_172 = arith.index_cast %swap3A_171 : i32 to index
    %swap3A_173 = arith.constant 0 : index
    %swap3A_174 = tpu.vector_load %arg7[%swap3A_172, %swap3A_173] {strides = array<i32>} : memref<64x16xf32, #tpu.memory_space<vmem>>, vector<1x16xf32>,
    %swap3A_175 = vector.shape_cast %swap3A_174 : vector<1x16xf32> to vector<16xf32>
    %swap3A_176 = vector.shape_cast %broadcast_in_dim3A_170 : vector<16xf32> to vector<1x16xf32>
    tpu.vector_store %arg7[%swap3A_172, %swap3A_173], %swap3A_176 {strides = array<i32>} : memref<64x16xf32, #tpu.memory_space<vmem>>, vector<1x16xf32>,
    %broadcast_in_dim3A_177 = arith.constant 1.000000e+00 : f32
    %broadcast_in_dim3A_178 = vector.broadcast %broadcast_in_dim3A_177 : f32 to vector<16xf32>
    %swap3A_179 = arith.constant 22 : i32
    %swap3A_180 = arith.index_cast %swap3A_179 : i32 to index
    %swap3A_181 = arith.constant 0 : index
    %swap3A_182 = tpu.vector_load %arg7[%swap3A_180, %swap3A_181] {strides = array<i32>} : memref<64x16xf32, #tpu.memory_space<vmem>>, vector<1x16xf32>,
    %swap3A_183 = vector.shape_cast %swap3A_182 : vector<1x16xf32> to vector<16xf32>
    %swap3A_184 = vector.shape_cast %broadcast_in_dim3A_178 : vector<16xf32> to vector<1x16xf32>
    tpu.vector_store %arg7[%swap3A_180, %swap3A_181], %swap3A_184 {strides = array<i32>} : memref<64x16xf32, #tpu.memory_space<vmem>>, vector<1x16xf32>,
    %broadcast_in_dim3A_185 = arith.constant 1.000000e+00 : f32
    %broadcast_in_dim3A_186 = vector.broadcast %broadcast_in_dim3A_185 : f32 to vector<16xf32>
    %swap3A_187 = arith.constant 23 : i32
    %swap3A_188 = arith.index_cast %swap3A_187 : i32 to index
    %swap3A_189 = arith.constant 0 : index
    %swap3A_190 = tpu.vector_load %arg7[%swap3A_188, %swap3A_189] {strides = array<i32>} : memref<64x16xf32, #tpu.memory_space<vmem>>, vector<1x16xf32>,
    %swap3A_191 = vector.shape_cast %swap3A_190 : vector<1x16xf32> to vector<16xf32>
    %swap3A_192 = vector.shape_cast %broadcast_in_dim3A_186 : vector<16xf32> to vector<1x16xf32>
    tpu.vector_store %arg7[%swap3A_188, %swap3A_189], %swap3A_192 {strides = array<i32>} : memref<64x16xf32, #tpu.memory_space<vmem>>, vector<1x16xf32>,
    %broadcast_in_dim3A_193 = arith.constant 1.000000e+00 : f32
    %broadcast_in_dim3A_194 = vector.broadcast %broadcast_in_dim3A_193 : f32 to vector<16xf32>
    %swap3A_195 = arith.constant 24 : i32
    %swap3A_196 = arith.index_cast %swap3A_195 : i32 to index
    %swap3A_197 = arith.constant 0 : index
    %swap3A_198 = tpu.vector_load %arg7[%swap3A_196, %swap3A_197] {strides = array<i32>} : memref<64x16xf32, #tpu.memory_space<vmem>>, vector<1x16xf32>,
    %swap3A_199 = vector.shape_cast %swap3A_198 : vector<1x16xf32> to vector<16xf32>
    %swap3A_200 = vector.shape_cast %broadcast_in_dim3A_194 : vector<16xf32> to vector<1x16xf32>
    tpu.vector_store %arg7[%swap3A_196, %swap3A_197], %swap3A_200 {strides = array<i32>} : memref<64x16xf32, #tpu.memory_space<vmem>>, vector<1x16xf32>,
    %broadcast_in_dim3A_201 = arith.constant 1.000000e+00 : f32
    %broadcast_in_dim3A_202 = vector.broadcast %broadcast_in_dim3A_201 : f32 to vector<16xf32>
    %swap3A_203 = arith.constant 25 : i32
    %swap3A_204 = arith.index_cast %swap3A_203 : i32 to index
    %swap3A_205 = arith.constant 0 : index
    %swap3A_206 = tpu.vector_load %arg7[%swap3A_204, %swap3A_205] {strides = array<i32>} : memref<64x16xf32, #tpu.memory_space<vmem>>, vector<1x16xf32>,
    %swap3A_207 = vector.shape_cast %swap3A_206 : vector<1x16xf32> to vector<16xf32>
    %swap3A_208 = vector.shape_cast %broadcast_in_dim3A_202 : vector<16xf32> to vector<1x16xf32>
    tpu.vector_store %arg7[%swap3A_204, %swap3A_205], %swap3A_208 {strides = array<i32>} : memref<64x16xf32, #tpu.memory_space<vmem>>, vector<1x16xf32>,
    %broadcast_in_dim3A_209 = arith.constant 1.000000e+00 : f32
    %broadcast_in_dim3A_210 = vector.broadcast %broadcast_in_dim3A_209 : f32 to vector<16xf32>
    %swap3A_211 = arith.constant 26 : i32
    %swap3A_212 = arith.index_cast %swap3A_211 : i32 to index
    %swap3A_213 = arith.constant 0 : index
    %swap3A_214 = tpu.vector_load %arg7[%swap3A_212, %swap3A_213] {strides = array<i32>} : memref<64x16xf32, #tpu.memory_space<vmem>>, vector<1x16xf32>,
    %swap3A_215 = vector.shape_cast %swap3A_214 : vector<1x16xf32> to vector<16xf32>
    %swap3A_216 = vector.shape_cast %broadcast_in_dim3A_210 : vector<16xf32> to vector<1x16xf32>
    tpu.vector_store %arg7[%swap3A_212, %swap3A_213], %swap3A_216 {strides = array<i32>} : memref<64x16xf32, #tpu.memory_space<vmem>>, vector<1x16xf32>,
    %broadcast_in_dim3A_217 = arith.constant 1.000000e+00 : f32
    %broadcast_in_dim3A_218 = vector.broadcast %broadcast_in_dim3A_217 : f32 to vector<16xf32>
    %swap3A_219 = arith.constant 27 : i32
    %swap3A_220 = arith.index_cast %swap3A_219 : i32 to index
    %swap3A_221 = arith.constant 0 : index
    %swap3A_222 = tpu.vector_load %arg7[%swap3A_220, %swap3A_221] {strides = array<i32>} : memref<64x16xf32, #tpu.memory_space<vmem>>, vector<1x16xf32>,
    %swap3A_223 = vector.shape_cast %swap3A_222 : vector<1x16xf32> to vector<16xf32>
    %swap3A_224 = vector.shape_cast %broadcast_in_dim3A_218 : vector<16xf32> to vector<1x16xf32>
    tpu.vector_store %arg7[%swap3A_220, %swap3A_221], %swap3A_224 {strides = array<i32>} : memref<64x16xf32, #tpu.memory_space<vmem>>, vector<1x16xf32>,
    %broadcast_in_dim3A_225 = arith.constant 1.000000e+00 : f32
    %broadcast_in_dim3A_226 = vector.broadcast %broadcast_in_dim3A_225 : f32 to vector<16xf32>
    %swap3A_227 = arith.constant 28 : i32
    %swap3A_228 = arith.index_cast %swap3A_227 : i32 to index
    %swap3A_229 = arith.constant 0 : index
    %swap3A_230 = tpu.vector_load %arg7[%swap3A_228, %swap3A_229] {strides = array<i32>} : memref<64x16xf32, #tpu.memory_space<vmem>>, vector<1x16xf32>,
    %swap3A_231 = vector.shape_cast %swap3A_230 : vector<1x16xf32> to vector<16xf32>
    %swap3A_232 = vector.shape_cast %broadcast_in_dim3A_226 : vector<16xf32> to vector<1x16xf32>
    tpu.vector_store %arg7[%swap3A_228, %swap3A_229], %swap3A_232 {strides = array<i32>} : memref<64x16xf32, #tpu.memory_space<vmem>>, vector<1x16xf32>,
    %broadcast_in_dim3A_233 = arith.constant 1.000000e+00 : f32
    %broadcast_in_dim3A_234 = vector.broadcast %broadcast_in_dim3A_233 : f32 to vector<16xf32>
    %swap3A_235 = arith.constant 29 : i32
    %swap3A_236 = arith.index_cast %swap3A_235 : i32 to index
    %swap3A_237 = arith.constant 0 : index
    %swap3A_238 = tpu.vector_load %arg7[%swap3A_236, %swap3A_237] {strides = array<i32>} : memref<64x16xf32, #tpu.memory_space<vmem>>, vector<1x16xf32>,
    %swap3A_239 = vector.shape_cast %swap3A_238 : vector<1x16xf32> to vector<16xf32>
    %swap3A_240 = vector.shape_cast %broadcast_in_dim3A_234 : vector<16xf32> to vector<1x16xf32>
    tpu.vector_store %arg7[%swap3A_236, %swap3A_237], %swap3A_240 {strides = array<i32>} : memref<64x16xf32, #tpu.memory_space<vmem>>, vector<1x16xf32>,
    %broadcast_in_dim3A_241 = arith.constant 1.000000e+00 : f32
    %broadcast_in_dim3A_242 = vector.broadcast %broadcast_in_dim3A_241 : f32 to vector<16xf32>
    %swap3A_243 = arith.constant 30 : i32
    %swap3A_244 = arith.index_cast %swap3A_243 : i32 to index
    %swap3A_245 = arith.constant 0 : index
    %swap3A_246 = tpu.vector_load %arg7[%swap3A_244, %swap3A_245] {strides = array<i32>} : memref<64x16xf32, #tpu.memory_space<vmem>>, vector<1x16xf32>,
    %swap3A_247 = vector.shape_cast %swap3A_246 : vector<1x16xf32> to vector<16xf32>
    %swap3A_248 = vector.shape_cast %broadcast_in_dim3A_242 : vector<16xf32> to vector<1x16xf32>
    tpu.vector_store %arg7[%swap3A_244, %swap3A_245], %swap3A_248 {strides = array<i32>} : memref<64x16xf32, #tpu.memory_space<vmem>>, vector<1x16xf32>,
    %broadcast_in_dim3A_249 = arith.constant 1.000000e+00 : f32
    %broadcast_in_dim3A_250 = vector.broadcast %broadcast_in_dim3A_249 : f32 to vector<16xf32>
    %swap3A_251 = arith.constant 31 : i32
    %swap3A_252 = arith.index_cast %swap3A_251 : i32 to index
    %swap3A_253 = arith.constant 0 : index
    %swap3A_254 = tpu.vector_load %arg7[%swap3A_252, %swap3A_253] {strides = array<i32>} : memref<64x16xf32, #tpu.memory_space<vmem>>, vector<1x16xf32>,
    %swap3A_255 = vector.shape_cast %swap3A_254 : vector<1x16xf32> to vector<16xf32>
    %swap3A_256 = vector.shape_cast %broadcast_in_dim3A_250 : vector<16xf32> to vector<1x16xf32>
    tpu.vector_store %arg7[%swap3A_252, %swap3A_253], %swap3A_256 {strides = array<i32>} : memref<64x16xf32, #tpu.memory_space<vmem>>, vector<1x16xf32>,
    %broadcast_in_dim3A_257 = arith.constant 1.000000e+00 : f32
    %broadcast_in_dim3A_258 = vector.broadcast %broadcast_in_dim3A_257 : f32 to vector<16xf32>
    %swap3A_259 = arith.constant 32 : i32
    %swap3A_260 = arith.index_cast %swap3A_259 : i32 to index
    %swap3A_261 = arith.constant 0 : index
    %swap3A_262 = tpu.vector_load %arg7[%swap3A_260, %swap3A_261] {strides = array<i32>} : memref<64x16xf32, #tpu.memory_space<vmem>>, vector<1x16xf32>,
    %swap3A_263 = vector.shape_cast %swap3A_262 : vector<1x16xf32> to vector<16xf32>
    %swap3A_264 = vector.shape_cast %broadcast_in_dim3A_258 : vector<16xf32> to vector<1x16xf32>
    tpu.vector_store %arg7[%swap3A_260, %swap3A_261], %swap3A_264 {strides = array<i32>} : memref<64x16xf32, #tpu.memory_space<vmem>>, vector<1x16xf32>,
    %broadcast_in_dim3A_265 = arith.constant 1.000000e+00 : f32
    %broadcast_in_dim3A_266 = vector.broadcast %broadcast_in_dim3A_265 : f32 to vector<16xf32>
    %swap3A_267 = arith.constant 33 : i32
    %swap3A_268 = arith.index_cast %swap3A_267 : i32 to index
    %swap3A_269 = arith.constant 0 : index
    %swap3A_270 = tpu.vector_load %arg7[%swap3A_268, %swap3A_269] {strides = array<i32>} : memref<64x16xf32, #tpu.memory_space<vmem>>, vector<1x16xf32>,
    %swap3A_271 = vector.shape_cast %swap3A_270 : vector<1x16xf32> to vector<16xf32>
    %swap3A_272 = vector.shape_cast %broadcast_in_dim3A_266 : vector<16xf32> to vector<1x16xf32>
    tpu.vector_store %arg7[%swap3A_268, %swap3A_269], %swap3A_272 {strides = array<i32>} : memref<64x16xf32, #tpu.memory_space<vmem>>, vector<1x16xf32>,
    %broadcast_in_dim3A_273 = arith.constant 1.000000e+00 : f32
    %broadcast_in_dim3A_274 = vector.broadcast %broadcast_in_dim3A_273 : f32 to vector<16xf32>
    %swap3A_275 = arith.constant 34 : i32
    %swap3A_276 = arith.index_cast %swap3A_275 : i32 to index
    %swap3A_277 = arith.constant 0 : index
    %swap3A_278 = tpu.vector_load %arg7[%swap3A_276, %swap3A_277] {strides = array<i32>} : memref<64x16xf32, #tpu.memory_space<vmem>>, vector<1x16xf32>,
    %swap3A_279 = vector.shape_cast %swap3A_278 : vector<1x16xf32> to vector<16xf32>
    %swap3A_280 = vector.shape_cast %broadcast_in_dim3A_274 : vector<16xf32> to vector<1x16xf32>
    tpu.vector_store %arg7[%swap3A_276, %swap3A_277], %swap3A_280 {strides = array<i32>} : memref<64x16xf32, #tpu.memory_space<vmem>>, vector<1x16xf32>,
    %broadcast_in_dim3A_281 = arith.constant 1.000000e+00 : f32
    %broadcast_in_dim3A_282 = vector.broadcast %broadcast_in_dim3A_281 : f32 to vector<16xf32>
    %swap3A_283 = arith.constant 35 : i32
    %swap3A_284 = arith.index_cast %swap3A_283 : i32 to index
    %swap3A_285 = arith.constant 0 : index
    %swap3A_286 = tpu.vector_load %arg7[%swap3A_284, %swap3A_285] {strides = array<i32>} : memref<64x16xf32, #tpu.memory_space<vmem>>, vector<1x16xf32>,
    %swap3A_287 = vector.shape_cast %swap3A_286 : vector<1x16xf32> to vector<16xf32>
    %swap3A_288 = vector.shape_cast %broadcast_in_dim3A_282 : vector<16xf32> to vector<1x16xf32>
    tpu.vector_store %arg7[%swap3A_284, %swap3A_285], %swap3A_288 {strides = array<i32>} : memref<64x16xf32, #tpu.memory_space<vmem>>, vector<1x16xf32>,
    %broadcast_in_dim3A_289 = arith.constant 1.000000e+00 : f32
    %broadcast_in_dim3A_290 = vector.broadcast %broadcast_in_dim3A_289 : f32 to vector<16xf32>
    %swap3A_291 = arith.constant 36 : i32
    %swap3A_292 = arith.index_cast %swap3A_291 : i32 to index
    %swap3A_293 = arith.constant 0 : index
    %swap3A_294 = tpu.vector_load %arg7[%swap3A_292, %swap3A_293] {strides = array<i32>} : memref<64x16xf32, #tpu.memory_space<vmem>>, vector<1x16xf32>,
    %swap3A_295 = vector.shape_cast %swap3A_294 : vector<1x16xf32> to vector<16xf32>
    %swap3A_296 = vector.shape_cast %broadcast_in_dim3A_290 : vector<16xf32> to vector<1x16xf32>
    tpu.vector_store %arg7[%swap3A_292, %swap3A_293], %swap3A_296 {strides = array<i32>} : memref<64x16xf32, #tpu.memory_space<vmem>>, vector<1x16xf32>,
    %broadcast_in_dim3A_297 = arith.constant 1.000000e+00 : f32
    %broadcast_in_dim3A_298 = vector.broadcast %broadcast_in_dim3A_297 : f32 to vector<16xf32>
    %swap3A_299 = arith.constant 37 : i32
    %swap3A_300 = arith.index_cast %swap3A_299 : i32 to index
    %swap3A_301 = arith.constant 0 : index
    %swap3A_302 = tpu.vector_load %arg7[%swap3A_300, %swap3A_301] {strides = array<i32>} : memref<64x16xf32, #tpu.memory_space<vmem>>, vector<1x16xf32>,
    %swap3A_303 = vector.shape_cast %swap3A_302 : vector<1x16xf32> to vector<16xf32>
    %swap3A_304 = vector.shape_cast %broadcast_in_dim3A_298 : vector<16xf32> to vector<1x16xf32>
    tpu.vector_store %arg7[%swap3A_300, %swap3A_301], %swap3A_304 {strides = array<i32>} : memref<64x16xf32, #tpu.memory_space<vmem>>, vector<1x16xf32>,
    %broadcast_in_dim3A_305 = arith.constant 1.000000e+00 : f32
    %broadcast_in_dim3A_306 = vector.broadcast %broadcast_in_dim3A_305 : f32 to vector<16xf32>
    %swap3A_307 = arith.constant 38 : i32
    %swap3A_308 = arith.index_cast %swap3A_307 : i32 to index
    %swap3A_309 = arith.constant 0 : index
    %swap3A_310 = tpu.vector_load %arg7[%swap3A_308, %swap3A_309] {strides = array<i32>} : memref<64x16xf32, #tpu.memory_space<vmem>>, vector<1x16xf32>,
    %swap3A_311 = vector.shape_cast %swap3A_310 : vector<1x16xf32> to vector<16xf32>
    %swap3A_312 = vector.shape_cast %broadcast_in_dim3A_306 : vector<16xf32> to vector<1x16xf32>
    tpu.vector_store %arg7[%swap3A_308, %swap3A_309], %swap3A_312 {strides = array<i32>} : memref<64x16xf32, #tpu.memory_space<vmem>>, vector<1x16xf32>,
    %broadcast_in_dim3A_313 = arith.constant 1.000000e+00 : f32
    %broadcast_in_dim3A_314 = vector.broadcast %broadcast_in_dim3A_313 : f32 to vector<16xf32>
    %swap3A_315 = arith.constant 39 : i32
    %swap3A_316 = arith.index_cast %swap3A_315 : i32 to index
    %swap3A_317 = arith.constant 0 : index
    %swap3A_318 = tpu.vector_load %arg7[%swap3A_316, %swap3A_317] {strides = array<i32>} : memref<64x16xf32, #tpu.memory_space<vmem>>, vector<1x16xf32>,
    %swap3A_319 = vector.shape_cast %swap3A_318 : vector<1x16xf32> to vector<16xf32>
    %swap3A_320 = vector.shape_cast %broadcast_in_dim3A_314 : vector<16xf32> to vector<1x16xf32>
    tpu.vector_store %arg7[%swap3A_316, %swap3A_317], %swap3A_320 {strides = array<i32>} : memref<64x16xf32, #tpu.memory_space<vmem>>, vector<1x16xf32>,
    %broadcast_in_dim3A_321 = arith.constant 1.000000e+00 : f32
    %broadcast_in_dim3A_322 = vector.broadcast %broadcast_in_dim3A_321 : f32 to vector<16xf32>
    %swap3A_323 = arith.constant 40 : i32
    %swap3A_324 = arith.index_cast %swap3A_323 : i32 to index
    %swap3A_325 = arith.constant 0 : index
    %swap3A_326 = tpu.vector_load %arg7[%swap3A_324, %swap3A_325] {strides = array<i32>} : memref<64x16xf32, #tpu.memory_space<vmem>>, vector<1x16xf32>,
    %swap3A_327 = vector.shape_cast %swap3A_326 : vector<1x16xf32> to vector<16xf32>
    %swap3A_328 = vector.shape_cast %broadcast_in_dim3A_322 : vector<16xf32> to vector<1x16xf32>
    tpu.vector_store %arg7[%swap3A_324, %swap3A_325], %swap3A_328 {strides = array<i32>} : memref<64x16xf32, #tpu.memory_space<vmem>>, vector<1x16xf32>,
    %broadcast_in_dim3A_329 = arith.constant 1.000000e+00 : f32
    %broadcast_in_dim3A_330 = vector.broadcast %broadcast_in_dim3A_329 : f32 to vector<16xf32>
    %swap3A_331 = arith.constant 41 : i32
    %swap3A_332 = arith.index_cast %swap3A_331 : i32 to index
    %swap3A_333 = arith.constant 0 : index
    %swap3A_334 = tpu.vector_load %arg7[%swap3A_332, %swap3A_333] {strides = array<i32>} : memref<64x16xf32, #tpu.memory_space<vmem>>, vector<1x16xf32>,
    %swap3A_335 = vector.shape_cast %swap3A_334 : vector<1x16xf32> to vector<16xf32>
    %swap3A_336 = vector.shape_cast %broadcast_in_dim3A_330 : vector<16xf32> to vector<1x16xf32>
    tpu.vector_store %arg7[%swap3A_332, %swap3A_333], %swap3A_336 {strides = array<i32>} : memref<64x16xf32, #tpu.memory_space<vmem>>, vector<1x16xf32>,
    %broadcast_in_dim3A_337 = arith.constant 1.000000e+00 : f32
    %broadcast_in_dim3A_338 = vector.broadcast %broadcast_in_dim3A_337 : f32 to vector<16xf32>
    %swap3A_339 = arith.constant 42 : i32
    %swap3A_340 = arith.index_cast %swap3A_339 : i32 to index
    %swap3A_341 = arith.constant 0 : index
    %swap3A_342 = tpu.vector_load %arg7[%swap3A_340, %swap3A_341] {strides = array<i32>} : memref<64x16xf32, #tpu.memory_space<vmem>>, vector<1x16xf32>,
    %swap3A_343 = vector.shape_cast %swap3A_342 : vector<1x16xf32> to vector<16xf32>
    %swap3A_344 = vector.shape_cast %broadcast_in_dim3A_338 : vector<16xf32> to vector<1x16xf32>
    tpu.vector_store %arg7[%swap3A_340, %swap3A_341], %swap3A_344 {strides = array<i32>} : memref<64x16xf32, #tpu.memory_space<vmem>>, vector<1x16xf32>,
    %broadcast_in_dim3A_345 = arith.constant 1.000000e+00 : f32
    %broadcast_in_dim3A_346 = vector.broadcast %broadcast_in_dim3A_345 : f32 to vector<16xf32>
    %swap3A_347 = arith.constant 43 : i32
    %swap3A_348 = arith.index_cast %swap3A_347 : i32 to index
    %swap3A_349 = arith.constant 0 : index
    %swap3A_350 = tpu.vector_load %arg7[%swap3A_348, %swap3A_349] {strides = array<i32>} : memref<64x16xf32, #tpu.memory_space<vmem>>, vector<1x16xf32>,
    %swap3A_351 = vector.shape_cast %swap3A_350 : vector<1x16xf32> to vector<16xf32>
    %swap3A_352 = vector.shape_cast %broadcast_in_dim3A_346 : vector<16xf32> to vector<1x16xf32>
    tpu.vector_store %arg7[%swap3A_348, %swap3A_349], %swap3A_352 {strides = array<i32>} : memref<64x16xf32, #tpu.memory_space<vmem>>, vector<1x16xf32>,
    %broadcast_in_dim3A_353 = arith.constant 1.000000e+00 : f32
    %broadcast_in_dim3A_354 = vector.broadcast %broadcast_in_dim3A_353 : f32 to vector<16xf32>
    %swap3A_355 = arith.constant 44 : i32
    %swap3A_356 = arith.index_cast %swap3A_355 : i32 to index
    %swap3A_357 = arith.constant 0 : index
    %swap3A_358 = tpu.vector_load %arg7[%swap3A_356, %swap3A_357] {strides = array<i32>} : memref<64x16xf32, #tpu.memory_space<vmem>>, vector<1x16xf32>,
    %swap3A_359 = vector.shape_cast %swap3A_358 : vector<1x16xf32> to vector<16xf32>
    %swap3A_360 = vector.shape_cast %broadcast_in_dim3A_354 : vector<16xf32> to vector<1x16xf32>
    tpu.vector_store %arg7[%swap3A_356, %swap3A_357], %swap3A_360 {strides = array<i32>} : memref<64x16xf32, #tpu.memory_space<vmem>>, vector<1x16xf32>,
    %broadcast_in_dim3A_361 = arith.constant 1.000000e+00 : f32
    %broadcast_in_dim3A_362 = vector.broadcast %broadcast_in_dim3A_361 : f32 to vector<16xf32>
    %swap3A_363 = arith.constant 45 : i32
    %swap3A_364 = arith.index_cast %swap3A_363 : i32 to index
    %swap3A_365 = arith.constant 0 : index
    %swap3A_366 = tpu.vector_load %arg7[%swap3A_364, %swap3A_365] {strides = array<i32>} : memref<64x16xf32, #tpu.memory_space<vmem>>, vector<1x16xf32>,
    %swap3A_367 = vector.shape_cast %swap3A_366 : vector<1x16xf32> to vector<16xf32>
    %swap3A_368 = vector.shape_cast %broadcast_in_dim3A_362 : vector<16xf32> to vector<1x16xf32>
    tpu.vector_store %arg7[%swap3A_364, %swap3A_365], %swap3A_368 {strides = array<i32>} : memref<64x16xf32, #tpu.memory_space<vmem>>, vector<1x16xf32>,
    %broadcast_in_dim3A_369 = arith.constant 1.000000e+00 : f32
    %broadcast_in_dim3A_370 = vector.broadcast %broadcast_in_dim3A_369 : f32 to vector<16xf32>
    %swap3A_371 = arith.constant 46 : i32
    %swap3A_372 = arith.index_cast %swap3A_371 : i32 to index
    %swap3A_373 = arith.constant 0 : index
    %swap3A_374 = tpu.vector_load %arg7[%swap3A_372, %swap3A_373] {strides = array<i32>} : memref<64x16xf32, #tpu.memory_space<vmem>>, vector<1x16xf32>,
    %swap3A_375 = vector.shape_cast %swap3A_374 : vector<1x16xf32> to vector<16xf32>
    %swap3A_376 = vector.shape_cast %broadcast_in_dim3A_370 : vector<16xf32> to vector<1x16xf32>
    tpu.vector_store %arg7[%swap3A_372, %swap3A_373], %swap3A_376 {strides = array<i32>} : memref<64x16xf32, #tpu.memory_space<vmem>>, vector<1x16xf32>,
    %broadcast_in_dim3A_377 = arith.constant 1.000000e+00 : f32
    %broadcast_in_dim3A_378 = vector.broadcast %broadcast_in_dim3A_377 : f32 to vector<16xf32>
    %swap3A_379 = arith.constant 47 : i32
    %swap3A_380 = arith.index_cast %swap3A_379 : i32 to index
    %swap3A_381 = arith.constant 0 : index
    %swap3A_382 = tpu.vector_load %arg7[%swap3A_380, %swap3A_381] {strides = array<i32>} : memref<64x16xf32, #tpu.memory_space<vmem>>, vector<1x16xf32>,
    %swap3A_383 = vector.shape_cast %swap3A_382 : vector<1x16xf32> to vector<16xf32>
    %swap3A_384 = vector.shape_cast %broadcast_in_dim3A_378 : vector<16xf32> to vector<1x16xf32>
    tpu.vector_store %arg7[%swap3A_380, %swap3A_381], %swap3A_384 {strides = array<i32>} : memref<64x16xf32, #tpu.memory_space<vmem>>, vector<1x16xf32>,
    %broadcast_in_dim3A_385 = arith.constant 1.000000e+00 : f32
    %broadcast_in_dim3A_386 = vector.broadcast %broadcast_in_dim3A_385 : f32 to vector<16xf32>
    %swap3A_387 = arith.constant 48 : i32
    %swap3A_388 = arith.index_cast %swap3A_387 : i32 to index
    %swap3A_389 = arith.constant 0 : index
    %swap3A_390 = tpu.vector_load %arg7[%swap3A_388, %swap3A_389] {strides = array<i32>} : memref<64x16xf32, #tpu.memory_space<vmem>>, vector<1x16xf32>,
    %swap3A_391 = vector.shape_cast %swap3A_390 : vector<1x16xf32> to vector<16xf32>
    %swap3A_392 = vector.shape_cast %broadcast_in_dim3A_386 : vector<16xf32> to vector<1x16xf32>
    tpu.vector_store %arg7[%swap3A_388, %swap3A_389], %swap3A_392 {strides = array<i32>} : memref<64x16xf32, #tpu.memory_space<vmem>>, vector<1x16xf32>,
    %broadcast_in_dim3A_393 = arith.constant 1.000000e+00 : f32
    %broadcast_in_dim3A_394 = vector.broadcast %broadcast_in_dim3A_393 : f32 to vector<16xf32>
    %swap3A_395 = arith.constant 49 : i32
    %swap3A_396 = arith.index_cast %swap3A_395 : i32 to index
    %swap3A_397 = arith.constant 0 : index
    %swap3A_398 = tpu.vector_load %arg7[%swap3A_396, %swap3A_397] {strides = array<i32>} : memref<64x16xf32, #tpu.memory_space<vmem>>, vector<1x16xf32>,
    %swap3A_399 = vector.shape_cast %swap3A_398 : vector<1x16xf32> to vector<16xf32>
    %swap3A_400 = vector.shape_cast %broadcast_in_dim3A_394 : vector<16xf32> to vector<1x16xf32>
    tpu.vector_store %arg7[%swap3A_396, %swap3A_397], %swap3A_400 {strides = array<i32>} : memref<64x16xf32, #tpu.memory_space<vmem>>, vector<1x16xf32>,
    %broadcast_in_dim3A_401 = arith.constant 1.000000e+00 : f32
    %broadcast_in_dim3A_402 = vector.broadcast %broadcast_in_dim3A_401 : f32 to vector<16xf32>
    %swap3A_403 = arith.constant 50 : i32
    %swap3A_404 = arith.index_cast %swap3A_403 : i32 to index
    %swap3A_405 = arith.constant 0 : index
    %swap3A_406 = tpu.vector_load %arg7[%swap3A_404, %swap3A_405] {strides = array<i32>} : memref<64x16xf32, #tpu.memory_space<vmem>>, vector<1x16xf32>,
    %swap3A_407 = vector.shape_cast %swap3A_406 : vector<1x16xf32> to vector<16xf32>
    %swap3A_408 = vector.shape_cast %broadcast_in_dim3A_402 : vector<16xf32> to vector<1x16xf32>
    tpu.vector_store %arg7[%swap3A_404, %swap3A_405], %swap3A_408 {strides = array<i32>} : memref<64x16xf32, #tpu.memory_space<vmem>>, vector<1x16xf32>,
    %broadcast_in_dim3A_409 = arith.constant 1.000000e+00 : f32
    %broadcast_in_dim3A_410 = vector.broadcast %broadcast_in_dim3A_409 : f32 to vector<16xf32>
    %swap3A_411 = arith.constant 51 : i32
    %swap3A_412 = arith.index_cast %swap3A_411 : i32 to index
    %swap3A_413 = arith.constant 0 : index
    %swap3A_414 = tpu.vector_load %arg7[%swap3A_412, %swap3A_413] {strides = array<i32>} : memref<64x16xf32, #tpu.memory_space<vmem>>, vector<1x16xf32>,
    %swap3A_415 = vector.shape_cast %swap3A_414 : vector<1x16xf32> to vector<16xf32>
    %swap3A_416 = vector.shape_cast %broadcast_in_dim3A_410 : vector<16xf32> to vector<1x16xf32>
    tpu.vector_store %arg7[%swap3A_412, %swap3A_413], %swap3A_416 {strides = array<i32>} : memref<64x16xf32, #tpu.memory_space<vmem>>, vector<1x16xf32>,
    %broadcast_in_dim3A_417 = arith.constant 1.000000e+00 : f32
    %broadcast_in_dim3A_418 = vector.broadcast %broadcast_in_dim3A_417 : f32 to vector<16xf32>
    %swap3A_419 = arith.constant 52 : i32
    %swap3A_420 = arith.index_cast %swap3A_419 : i32 to index
    %swap3A_421 = arith.constant 0 : index
    %swap3A_422 = tpu.vector_load %arg7[%swap3A_420, %swap3A_421] {strides = array<i32>} : memref<64x16xf32, #tpu.memory_space<vmem>>, vector<1x16xf32>,
    %swap3A_423 = vector.shape_cast %swap3A_422 : vector<1x16xf32> to vector<16xf32>
    %swap3A_424 = vector.shape_cast %broadcast_in_dim3A_418 : vector<16xf32> to vector<1x16xf32>
    tpu.vector_store %arg7[%swap3A_420, %swap3A_421], %swap3A_424 {strides = array<i32>} : memref<64x16xf32, #tpu.memory_space<vmem>>, vector<1x16xf32>,
    %broadcast_in_dim3A_425 = arith.constant 1.000000e+00 : f32
    %broadcast_in_dim3A_426 = vector.broadcast %broadcast_in_dim3A_425 : f32 to vector<16xf32>
    %swap3A_427 = arith.constant 53 : i32
    %swap3A_428 = arith.index_cast %swap3A_427 : i32 to index
    %swap3A_429 = arith.constant 0 : index
    %swap3A_430 = tpu.vector_load %arg7[%swap3A_428, %swap3A_429] {strides = array<i32>} : memref<64x16xf32, #tpu.memory_space<vmem>>, vector<1x16xf32>,
    %swap3A_431 = vector.shape_cast %swap3A_430 : vector<1x16xf32> to vector<16xf32>
    %swap3A_432 = vector.shape_cast %broadcast_in_dim3A_426 : vector<16xf32> to vector<1x16xf32>
    tpu.vector_store %arg7[%swap3A_428, %swap3A_429], %swap3A_432 {strides = array<i32>} : memref<64x16xf32, #tpu.memory_space<vmem>>, vector<1x16xf32>,
    %broadcast_in_dim3A_433 = arith.constant 1.000000e+00 : f32
    %broadcast_in_dim3A_434 = vector.broadcast %broadcast_in_dim3A_433 : f32 to vector<16xf32>
    %swap3A_435 = arith.constant 54 : i32
    %swap3A_436 = arith.index_cast %swap3A_435 : i32 to index
    %swap3A_437 = arith.constant 0 : index
    %swap3A_438 = tpu.vector_load %arg7[%swap3A_436, %swap3A_437] {strides = array<i32>} : memref<64x16xf32, #tpu.memory_space<vmem>>, vector<1x16xf32>,
    %swap3A_439 = vector.shape_cast %swap3A_438 : vector<1x16xf32> to vector<16xf32>
    %swap3A_440 = vector.shape_cast %broadcast_in_dim3A_434 : vector<16xf32> to vector<1x16xf32>
    tpu.vector_store %arg7[%swap3A_436, %swap3A_437], %swap3A_440 {strides = array<i32>} : memref<64x16xf32, #tpu.memory_space<vmem>>, vector<1x16xf32>,
    %broadcast_in_dim3A_441 = arith.constant 1.000000e+00 : f32
    %broadcast_in_dim3A_442 = vector.broadcast %broadcast_in_dim3A_441 : f32 to vector<16xf32>
    %swap3A_443 = arith.constant 55 : i32
    %swap3A_444 = arith.index_cast %swap3A_443 : i32 to index
    %swap3A_445 = arith.constant 0 : index
    %swap3A_446 = tpu.vector_load %arg7[%swap3A_444, %swap3A_445] {strides = array<i32>} : memref<64x16xf32, #tpu.memory_space<vmem>>, vector<1x16xf32>,
    %swap3A_447 = vector.shape_cast %swap3A_446 : vector<1x16xf32> to vector<16xf32>
    %swap3A_448 = vector.shape_cast %broadcast_in_dim3A_442 : vector<16xf32> to vector<1x16xf32>
    tpu.vector_store %arg7[%swap3A_444, %swap3A_445], %swap3A_448 {strides = array<i32>} : memref<64x16xf32, #tpu.memory_space<vmem>>, vector<1x16xf32>,
    %broadcast_in_dim3A_449 = arith.constant 1.000000e+00 : f32
    %broadcast_in_dim3A_450 = vector.broadcast %broadcast_in_dim3A_449 : f32 to vector<16xf32>
    %swap3A_451 = arith.constant 56 : i32
    %swap3A_452 = arith.index_cast %swap3A_451 : i32 to index
    %swap3A_453 = arith.constant 0 : index
    %swap3A_454 = tpu.vector_load %arg7[%swap3A_452, %swap3A_453] {strides = array<i32>} : memref<64x16xf32, #tpu.memory_space<vmem>>, vector<1x16xf32>,
    %swap3A_455 = vector.shape_cast %swap3A_454 : vector<1x16xf32> to vector<16xf32>
    %swap3A_456 = vector.shape_cast %broadcast_in_dim3A_450 : vector<16xf32> to vector<1x16xf32>
    tpu.vector_store %arg7[%swap3A_452, %swap3A_453], %swap3A_456 {strides = array<i32>} : memref<64x16xf32, #tpu.memory_space<vmem>>, vector<1x16xf32>,
    %broadcast_in_dim3A_457 = arith.constant 1.000000e+00 : f32
    %broadcast_in_dim3A_458 = vector.broadcast %broadcast_in_dim3A_457 : f32 to vector<16xf32>
    %swap3A_459 = arith.constant 57 : i32
    %swap3A_460 = arith.index_cast %swap3A_459 : i32 to index
    %swap3A_461 = arith.constant 0 : index
    %swap3A_462 = tpu.vector_load %arg7[%swap3A_460, %swap3A_461] {strides = array<i32>} : memref<64x16xf32, #tpu.memory_space<vmem>>, vector<1x16xf32>,
    %swap3A_463 = vector.shape_cast %swap3A_462 : vector<1x16xf32> to vector<16xf32>
    %swap3A_464 = vector.shape_cast %broadcast_in_dim3A_458 : vector<16xf32> to vector<1x16xf32>
    tpu.vector_store %arg7[%swap3A_460, %swap3A_461], %swap3A_464 {strides = array<i32>} : memref<64x16xf32, #tpu.memory_space<vmem>>, vector<1x16xf32>,
    %broadcast_in_dim3A_465 = arith.constant 1.000000e+00 : f32
    %broadcast_in_dim3A_466 = vector.broadcast %broadcast_in_dim3A_465 : f32 to vector<16xf32>
    %swap3A_467 = arith.constant 58 : i32
    %swap3A_468 = arith.index_cast %swap3A_467 : i32 to index
    %swap3A_469 = arith.constant 0 : index
    %swap3A_470 = tpu.vector_load %arg7[%swap3A_468, %swap3A_469] {strides = array<i32>} : memref<64x16xf32, #tpu.memory_space<vmem>>, vector<1x16xf32>,
    %swap3A_471 = vector.shape_cast %swap3A_470 : vector<1x16xf32> to vector<16xf32>
    %swap3A_472 = vector.shape_cast %broadcast_in_dim3A_466 : vector<16xf32> to vector<1x16xf32>
    tpu.vector_store %arg7[%swap3A_468, %swap3A_469], %swap3A_472 {strides = array<i32>} : memref<64x16xf32, #tpu.memory_space<vmem>>, vector<1x16xf32>,
    %broadcast_in_dim3A_473 = arith.constant 1.000000e+00 : f32
    %broadcast_in_dim3A_474 = vector.broadcast %broadcast_in_dim3A_473 : f32 to vector<16xf32>
    %swap3A_475 = arith.constant 59 : i32
    %swap3A_476 = arith.index_cast %swap3A_475 : i32 to index
    %swap3A_477 = arith.constant 0 : index
    %swap3A_478 = tpu.vector_load %arg7[%swap3A_476, %swap3A_477] {strides = array<i32>} : memref<64x16xf32, #tpu.memory_space<vmem>>, vector<1x16xf32>,
    %swap3A_479 = vector.shape_cast %swap3A_478 : vector<1x16xf32> to vector<16xf32>
    %swap3A_480 = vector.shape_cast %broadcast_in_dim3A_474 : vector<16xf32> to vector<1x16xf32>
    tpu.vector_store %arg7[%swap3A_476, %swap3A_477], %swap3A_480 {strides = array<i32>} : memref<64x16xf32, #tpu.memory_space<vmem>>, vector<1x16xf32>,
    %broadcast_in_dim3A_481 = arith.constant 1.000000e+00 : f32
    %broadcast_in_dim3A_482 = vector.broadcast %broadcast_in_dim3A_481 : f32 to vector<16xf32>
    %swap3A_483 = arith.constant 60 : i32
    %swap3A_484 = arith.index_cast %swap3A_483 : i32 to index
    %swap3A_485 = arith.constant 0 : index
    %swap3A_486 = tpu.vector_load %arg7[%swap3A_484, %swap3A_485] {strides = array<i32>} : memref<64x16xf32, #tpu.memory_space<vmem>>, vector<1x16xf32>,
    %swap3A_487 = vector.shape_cast %swap3A_486 : vector<1x16xf32> to vector<16xf32>
    %swap3A_488 = vector.shape_cast %broadcast_in_dim3A_482 : vector<16xf32> to vector<1x16xf32>
    tpu.vector_store %arg7[%swap3A_484, %swap3A_485], %swap3A_488 {strides = array<i32>} : memref<64x16xf32, #tpu.memory_space<vmem>>, vector<1x16xf32>,
    %broadcast_in_dim3A_489 = arith.constant 1.000000e+00 : f32
    %broadcast_in_dim3A_490 = vector.broadcast %broadcast_in_dim3A_489 : f32 to vector<16xf32>
    %swap3A_491 = arith.constant 61 : i32
    %swap3A_492 = arith.index_cast %swap3A_491 : i32 to index
    %swap3A_493 = arith.constant 0 : index
    %swap3A_494 = tpu.vector_load %arg7[%swap3A_492, %swap3A_493] {strides = array<i32>} : memref<64x16xf32, #tpu.memory_space<vmem>>, vector<1x16xf32>,
    %swap3A_495 = vector.shape_cast %swap3A_494 : vector<1x16xf32> to vector<16xf32>
    %swap3A_496 = vector.shape_cast %broadcast_in_dim3A_490 : vector<16xf32> to vector<1x16xf32>
    tpu.vector_store %arg7[%swap3A_492, %swap3A_493], %swap3A_496 {strides = array<i32>} : memref<64x16xf32, #tpu.memory_space<vmem>>, vector<1x16xf32>,
    %broadcast_in_dim3A_497 = arith.constant 1.000000e+00 : f32
    %broadcast_in_dim3A_498 = vector.broadcast %broadcast_in_dim3A_497 : f32 to vector<16xf32>
    %swap3A_499 = arith.constant 62 : i32
    %swap3A_500 = arith.index_cast %swap3A_499 : i32 to index
    %swap3A_501 = arith.constant 0 : index
    %swap3A_502 = tpu.vector_load %arg7[%swap3A_500, %swap3A_501] {strides = array<i32>} : memref<64x16xf32, #tpu.memory_space<vmem>>, vector<1x16xf32>,
    %swap3A_503 = vector.shape_cast %swap3A_502 : vector<1x16xf32> to vector<16xf32>
    %swap3A_504 = vector.shape_cast %broadcast_in_dim3A_498 : vector<16xf32> to vector<1x16xf32>
    tpu.vector_store %arg7[%swap3A_500, %swap3A_501], %swap3A_504 {strides = array<i32>} : memref<64x16xf32, #tpu.memory_space<vmem>>, vector<1x16xf32>,
    %broadcast_in_dim3A_505 = arith.constant 1.000000e+00 : f32
    %broadcast_in_dim3A_506 = vector.broadcast %broadcast_in_dim3A_505 : f32 to vector<16xf32>
    %swap3A_507 = arith.constant 63 : i32
    %swap3A_508 = arith.index_cast %swap3A_507 : i32 to index
    %swap3A_509 = arith.constant 0 : index
    %swap3A_510 = tpu.vector_load %arg7[%swap3A_508, %swap3A_509] {strides = array<i32>} : memref<64x16xf32, #tpu.memory_space<vmem>>, vector<1x16xf32>,
    %swap3A_511 = vector.shape_cast %swap3A_510 : vector<1x16xf32> to vector<16xf32>
    %swap3A_512 = vector.shape_cast %broadcast_in_dim3A_506 : vector<16xf32> to vector<1x16xf32>
    tpu.vector_store %arg7[%swap3A_508, %swap3A_509], %swap3A_512 {strides = array<i32>} : memref<64x16xf32, #tpu.memory_space<vmem>>, vector<1x16xf32>,
    %barrier3A = arith.constant 0 : index
    tpu.barrier barrier_id(%barrier3A)
    "tpu.region"() ({
      %run_scoped3A = tpu.sem_alloc : memref<!tpu.dma_semaphore, #tpu.memory_space<semaphore_mem>>
      %dma_start3A = arith.constant 0 : i32
      %dma_start3A_521 = arith.constant 0 : i32
      %dma_start3A_522 = tpu.memref_slice %arg2[%add3A, %dma_start3A, %dma_start3A_521] : memref<32x157x64xi32, #tpu.memory_space<hbm>> -> memref<1x157x64xi32, #tpu.memory_space<hbm>>
      %dma_start3A_523 = tpu.memref_squeeze %dma_start3A_522 : memref<1x157x64xi32, #tpu.memory_space<hbm>> -> memref<157x64xi32, #tpu.memory_space<hbm>>
      %dma_start3A_524 = arith.constant 0 : i32
      %dma_start3A_525 = arith.constant 0 : i32
      %dma_start3A_526 = tpu.memref_slice %arg2[%add3A, %dma_start3A_524, %dma_start3A_525] : memref<32x157x64xi32, #tpu.memory_space<hbm>> -> memref<1x157x64xi32, #tpu.memory_space<hbm>>
      %dma_start3A_527 = tpu.memref_squeeze %dma_start3A_526 : memref<1x157x64xi32, #tpu.memory_space<hbm>> -> memref<157x64xi32, #tpu.memory_space<hbm>>
      tpu.enqueue_dma source(%dma_start3A_527 : memref<157x64xi32, #tpu.memory_space<hbm>>) target(%arg6 : memref<157x64xi32, #tpu.memory_space<vmem>>) target_semaphore(%run_scoped3A : memref<!tpu.dma_semaphore, #tpu.memory_space<semaphore_mem>>)
      %dma_wait3A = arith.constant 0 : i32
      %dma_wait3A_528 = arith.constant 0 : i32
      %dma_wait3A_529 = tpu.memref_slice %arg2[%add3A, %dma_wait3A, %dma_wait3A_528] : memref<32x157x64xi32, #tpu.memory_space<hbm>> -> memref<1x157x64xi32, #tpu.memory_space<hbm>>
      %dma_wait3A_530 = tpu.memref_squeeze %dma_wait3A_529 : memref<1x157x64xi32, #tpu.memory_space<hbm>> -> memref<157x64xi32, #tpu.memory_space<hbm>>
      %dma_wait3A_531 = arith.constant 0 : i32
      %dma_wait3A_532 = arith.constant 0 : i32
      %dma_wait3A_533 = tpu.memref_slice %arg2[%add3A, %dma_wait3A_531, %dma_wait3A_532] : memref<32x157x64xi32, #tpu.memory_space<hbm>> -> memref<1x157x64xi32, #tpu.memory_space<hbm>>
      %dma_wait3A_534 = tpu.memref_squeeze %dma_wait3A_533 : memref<1x157x64xi32, #tpu.memory_space<hbm>> -> memref<157x64xi32, #tpu.memory_space<hbm>>
      tpu.wait_dma2 semaphore(%run_scoped3A : memref<!tpu.dma_semaphore, #tpu.memory_space<semaphore_mem>>) src(%dma_wait3A_534 : memref<157x64xi32, #tpu.memory_space<hbm>>) dst(%arg6 : memref<157x64xi32, #tpu.memory_space<vmem>>)
      tpu.yield
    }) : () -> ()
    %scan3A = arith.constant 0 : i32
    %scan3A_513 = arith.constant 0 : i32
    %scan3A_514 = arith.constant 157 : i32
    %scan3A_515 = arith.addi %scan3A_513, %scan3A_514 : i32
    %scan3A_516 = arith.constant 1 : i32
    scf.for %scan3A_521 = %scan3A_513 to %scan3A_515 step %scan3A_516  : i32 {
      "tpu.region"() ({
        %run_scoped3A = tpu.sem_alloc : memref<!tpu.dma_semaphore, #tpu.memory_space<semaphore_mem>>
        %dma_start3A = arith.constant 0 : i32
        %dma_start3A_522 = tpu.memref_slice %arg6[%scan3A_521, %dma_start3A] : memref<157x64xi32, #tpu.memory_space<vmem>> -> memref<1x64xi32, #tpu.memory_space<vmem>>
        %dma_start3A_523 = tpu.memref_squeeze %dma_start3A_522 : memref<1x64xi32, #tpu.memory_space<vmem>> -> memref<64xi32, #tpu.memory_space<vmem>>
        %dma_start3A_524 = arith.constant 0 : i32
        %dma_start3A_525 = arith.constant 0 : i32
        %dma_start3A_526 = tpu.memref_slice %arg5[%dma_start3A_524, %dma_start3A_525] : memref<10240x16xf32, #tpu.memory_space<vmem_shared>> -> memref<10240x16xf32, #tpu.memory_space<vmem_shared>>
        tpu.enqueue_indirect_dma source(%arg7 : memref<64x16xf32, #tpu.memory_space<vmem>>) target(%dma_start3A_526 : memref<10240x16xf32, #tpu.memory_space<vmem_shared>>) offsets(%dma_start3A_523 : memref<64xi32, #tpu.memory_space<vmem>>) semaphore(%run_scoped3A : memref<!tpu.dma_semaphore, #tpu.memory_space<semaphore_mem>>) {add = true}
        %dma_wait3A = arith.constant 0 : i32
        %dma_wait3A_527 = tpu.memref_slice %arg6[%scan3A_521, %dma_wait3A] : memref<157x64xi32, #tpu.memory_space<vmem>> -> memref<1x64xi32, #tpu.memory_space<vmem>>
        %dma_wait3A_528 = tpu.memref_squeeze %dma_wait3A_527 : memref<1x64xi32, #tpu.memory_space<vmem>> -> memref<64xi32, #tpu.memory_space<vmem>>
        %dma_wait3A_529 = arith.constant 0 : i32
        %dma_wait3A_530 = arith.constant 0 : i32
        %dma_wait3A_531 = tpu.memref_slice %arg5[%dma_wait3A_529, %dma_wait3A_530] : memref<10240x16xf32, #tpu.memory_space<vmem_shared>> -> memref<10240x16xf32, #tpu.memory_space<vmem_shared>>
        tpu.wait_indirect_dma semaphore(%run_scoped3A : memref<!tpu.dma_semaphore, #tpu.memory_space<semaphore_mem>>) src(%arg7 : memref<64x16xf32, #tpu.memory_space<vmem>>) dst(%dma_wait3A_531 : memref<10240x16xf32, #tpu.memory_space<vmem_shared>>)
        tpu.yield
      }) : () -> ()
    }
    %scan3A_517 = arith.constant 157 : i32
    %barrier3A_518 = arith.constant 0 : index
    tpu.barrier barrier_id(%barrier3A_518)
    %mul3A_519 = arith.constant 640 : i32
    %mul3A_520 = arith.muli %arg1, %mul3A_519 : i32
    "tpu.region"() ({
      %run_scoped3A = tpu.sem_alloc : memref<!tpu.dma_semaphore, #tpu.memory_space<semaphore_mem>>
      %dma_start3A = arith.constant 0 : i32
      %dma_start3A_521 = tpu.memref_slice %arg4[%arg0, %mul3A_520, %dma_start3A] : memref<2x10240x16xf32, #tpu.memory_space<hbm>> -> memref<1x640x16xf32, #tpu.memory_space<hbm>>
      %dma_start3A_522 = tpu.memref_squeeze %dma_start3A_521 : memref<1x640x16xf32, #tpu.memory_space<hbm>> -> memref<640x16xf32, #tpu.memory_space<hbm>>
      %dma_start3A_523 = arith.constant 0 : i32
      %dma_start3A_524 = tpu.memref_slice %arg5[%mul3A_520, %dma_start3A_523] : memref<10240x16xf32, #tpu.memory_space<vmem_shared>> -> memref<640x16xf32, #tpu.memory_space<vmem_shared>>
      tpu.enqueue_dma source(%dma_start3A_524 : memref<640x16xf32, #tpu.memory_space<vmem_shared>>) target(%dma_start3A_522 : memref<640x16xf32, #tpu.memory_space<hbm>>) target_semaphore(%run_scoped3A : memref<!tpu.dma_semaphore, #tpu.memory_space<semaphore_mem>>)
      %dma_wait3A = arith.constant 0 : i32
      %dma_wait3A_525 = tpu.memref_slice %arg4[%arg0, %mul3A_520, %dma_wait3A] : memref<2x10240x16xf32, #tpu.memory_space<hbm>> -> memref<1x640x16xf32, #tpu.memory_space<hbm>>
      %dma_wait3A_526 = tpu.memref_squeeze %dma_wait3A_525 : memref<1x640x16xf32, #tpu.memory_space<hbm>> -> memref<640x16xf32, #tpu.memory_space<hbm>>
      %dma_wait3A_527 = arith.constant 0 : i32
      %dma_wait3A_528 = tpu.memref_slice %arg5[%mul3A_520, %dma_wait3A_527] : memref<10240x16xf32, #tpu.memory_space<vmem_shared>> -> memref<640x16xf32, #tpu.memory_space<vmem_shared>>
      tpu.wait_dma2 semaphore(%run_scoped3A : memref<!tpu.dma_semaphore, #tpu.memory_space<semaphore_mem>>) src(%dma_wait3A_528 : memref<640x16xf32, #tpu.memory_space<vmem_shared>>) dst(%dma_wait3A_526 : memref<640x16xf32, #tpu.memory_space<hbm>>)
      tpu.yield
    }) : () -> ()
    return
  }
}

#map = affine_map<(d0, d1) -> (0, 0)>
#map1 = affine_map<(d0, d1) -> (0, 0, 0)>
module attributes {stable_mosaic.version = 14 : i64} {
  func.func @scat_kernel(%arg0: i32, %arg1: i32, %arg2: memref<10240x128xf32, #tpu.memory_space<hbm>>, %arg3: memref<32x157x64xi32, #tpu.memory_space<hbm>>, %arg4: memref<32x157x64xi32, #tpu.memory_space<hbm>>, %arg5: memref<640x128xf32, #tpu.memory_space<hbm>>, %arg6: memref<2x10240x128xf32, #tpu.memory_space<hbm>>, %arg7: memref<10240x128xf32, #tpu.memory_space<vmem_shared>>, %arg8: memref<157x64xi32, #tpu.memory_space<vmem>>, %arg9: memref<157x64xi32, #tpu.memory_space<vmem>>, %arg10: memref<64x128xf32, #tpu.memory_space<vmem>>, %arg11: memref<64x128xf32, #tpu.memory_space<vmem>>, %arg12: memref<!tpu.dma_semaphore, #tpu.memory_space<semaphore_mem>>, %arg13: memref<!tpu.dma_semaphore, #tpu.memory_space<semaphore_mem>>) attributes {dimension_semantics = [#tpu.dimension_semantics<core_parallel>, #tpu.dimension_semantics<subcore_parallel>], iteration_bounds = array<i64: 2, 16>, scalar_prefetch = 0 : i64, scratch_operands = 7 : i64, tpu.core_type = #tpu.core_type<sc_vector_subcore>, window_params = [{transform_indices = #map}, {transform_indices = #map1}, {transform_indices = #map1}, {transform_indices = #map}, {transform_indices = #map1}]} {
    %mul3A = arith.constant 16 : i32
    %mul3A_0 = arith.muli %arg0, %mul3A : i32
    %add3A = arith.addi %mul3A_0, %arg1 : i32
    %mul3A_1 = arith.constant 640 : i32
    %mul3A_2 = arith.muli %arg1, %mul3A_1 : i32
    "tpu.region"() ({
      %run_scoped3A_23 = tpu.sem_alloc : memref<!tpu.dma_semaphore, #tpu.memory_space<semaphore_mem>>
      %dma_start3A_24 = arith.constant 0 : i32
      %dma_start3A_25 = tpu.memref_slice %arg7[%mul3A_2, %dma_start3A_24] : memref<10240x128xf32, #tpu.memory_space<vmem_shared>> -> memref<640x128xf32, #tpu.memory_space<vmem_shared>>
      tpu.enqueue_dma source(%arg5 : memref<640x128xf32, #tpu.memory_space<hbm>>) target(%dma_start3A_25 : memref<640x128xf32, #tpu.memory_space<vmem_shared>>) target_semaphore(%run_scoped3A_23 : memref<!tpu.dma_semaphore, #tpu.memory_space<semaphore_mem>>)
      %dma_wait3A_26 = arith.constant 0 : i32
      %dma_wait3A_27 = tpu.memref_slice %arg7[%mul3A_2, %dma_wait3A_26] : memref<10240x128xf32, #tpu.memory_space<vmem_shared>> -> memref<640x128xf32, #tpu.memory_space<vmem_shared>>
      tpu.wait_dma2 semaphore(%run_scoped3A_23 : memref<!tpu.dma_semaphore, #tpu.memory_space<semaphore_mem>>) src(%arg5 : memref<640x128xf32, #tpu.memory_space<hbm>>) dst(%dma_wait3A_27 : memref<640x128xf32, #tpu.memory_space<vmem_shared>>)
      tpu.yield
    }) : () -> ()
    %barrier3A = arith.constant 0 : index
    tpu.barrier barrier_id(%barrier3A)
    "tpu.region"() ({
      %run_scoped3A_23 = tpu.sem_alloc : memref<!tpu.dma_semaphore, #tpu.memory_space<semaphore_mem>>
      %dma_start3A_24 = arith.constant 0 : i32
      %dma_start3A_25 = arith.constant 0 : i32
      %dma_start3A_26 = tpu.memref_slice %arg3[%add3A, %dma_start3A_24, %dma_start3A_25] : memref<32x157x64xi32, #tpu.memory_space<hbm>> -> memref<1x157x64xi32, #tpu.memory_space<hbm>>
      %dma_start3A_27 = tpu.memref_squeeze %dma_start3A_26 : memref<1x157x64xi32, #tpu.memory_space<hbm>> -> memref<157x64xi32, #tpu.memory_space<hbm>>
      %dma_start3A_28 = arith.constant 0 : i32
      %dma_start3A_29 = arith.constant 0 : i32
      %dma_start3A_30 = tpu.memref_slice %arg3[%add3A, %dma_start3A_28, %dma_start3A_29] : memref<32x157x64xi32, #tpu.memory_space<hbm>> -> memref<1x157x64xi32, #tpu.memory_space<hbm>>
      %dma_start3A_31 = tpu.memref_squeeze %dma_start3A_30 : memref<1x157x64xi32, #tpu.memory_space<hbm>> -> memref<157x64xi32, #tpu.memory_space<hbm>>
      tpu.enqueue_dma source(%dma_start3A_31 : memref<157x64xi32, #tpu.memory_space<hbm>>) target(%arg8 : memref<157x64xi32, #tpu.memory_space<vmem>>) target_semaphore(%run_scoped3A_23 : memref<!tpu.dma_semaphore, #tpu.memory_space<semaphore_mem>>)
      %dma_wait3A_32 = arith.constant 0 : i32
      %dma_wait3A_33 = arith.constant 0 : i32
      %dma_wait3A_34 = tpu.memref_slice %arg3[%add3A, %dma_wait3A_32, %dma_wait3A_33] : memref<32x157x64xi32, #tpu.memory_space<hbm>> -> memref<1x157x64xi32, #tpu.memory_space<hbm>>
      %dma_wait3A_35 = tpu.memref_squeeze %dma_wait3A_34 : memref<1x157x64xi32, #tpu.memory_space<hbm>> -> memref<157x64xi32, #tpu.memory_space<hbm>>
      %dma_wait3A_36 = arith.constant 0 : i32
      %dma_wait3A_37 = arith.constant 0 : i32
      %dma_wait3A_38 = tpu.memref_slice %arg3[%add3A, %dma_wait3A_36, %dma_wait3A_37] : memref<32x157x64xi32, #tpu.memory_space<hbm>> -> memref<1x157x64xi32, #tpu.memory_space<hbm>>
      %dma_wait3A_39 = tpu.memref_squeeze %dma_wait3A_38 : memref<1x157x64xi32, #tpu.memory_space<hbm>> -> memref<157x64xi32, #tpu.memory_space<hbm>>
      tpu.wait_dma2 semaphore(%run_scoped3A_23 : memref<!tpu.dma_semaphore, #tpu.memory_space<semaphore_mem>>) src(%dma_wait3A_39 : memref<157x64xi32, #tpu.memory_space<hbm>>) dst(%arg8 : memref<157x64xi32, #tpu.memory_space<vmem>>)
      tpu.yield
    }) : () -> ()
    "tpu.region"() ({
      %run_scoped3A_23 = tpu.sem_alloc : memref<!tpu.dma_semaphore, #tpu.memory_space<semaphore_mem>>
      %dma_start3A_24 = arith.constant 0 : i32
      %dma_start3A_25 = arith.constant 0 : i32
      %dma_start3A_26 = tpu.memref_slice %arg4[%add3A, %dma_start3A_24, %dma_start3A_25] : memref<32x157x64xi32, #tpu.memory_space<hbm>> -> memref<1x157x64xi32, #tpu.memory_space<hbm>>
      %dma_start3A_27 = tpu.memref_squeeze %dma_start3A_26 : memref<1x157x64xi32, #tpu.memory_space<hbm>> -> memref<157x64xi32, #tpu.memory_space<hbm>>
      %dma_start3A_28 = arith.constant 0 : i32
      %dma_start3A_29 = arith.constant 0 : i32
      %dma_start3A_30 = tpu.memref_slice %arg4[%add3A, %dma_start3A_28, %dma_start3A_29] : memref<32x157x64xi32, #tpu.memory_space<hbm>> -> memref<1x157x64xi32, #tpu.memory_space<hbm>>
      %dma_start3A_31 = tpu.memref_squeeze %dma_start3A_30 : memref<1x157x64xi32, #tpu.memory_space<hbm>> -> memref<157x64xi32, #tpu.memory_space<hbm>>
      tpu.enqueue_dma source(%dma_start3A_31 : memref<157x64xi32, #tpu.memory_space<hbm>>) target(%arg9 : memref<157x64xi32, #tpu.memory_space<vmem>>) target_semaphore(%run_scoped3A_23 : memref<!tpu.dma_semaphore, #tpu.memory_space<semaphore_mem>>)
      %dma_wait3A_32 = arith.constant 0 : i32
      %dma_wait3A_33 = arith.constant 0 : i32
      %dma_wait3A_34 = tpu.memref_slice %arg4[%add3A, %dma_wait3A_32, %dma_wait3A_33] : memref<32x157x64xi32, #tpu.memory_space<hbm>> -> memref<1x157x64xi32, #tpu.memory_space<hbm>>
      %dma_wait3A_35 = tpu.memref_squeeze %dma_wait3A_34 : memref<1x157x64xi32, #tpu.memory_space<hbm>> -> memref<157x64xi32, #tpu.memory_space<hbm>>
      %dma_wait3A_36 = arith.constant 0 : i32
      %dma_wait3A_37 = arith.constant 0 : i32
      %dma_wait3A_38 = tpu.memref_slice %arg4[%add3A, %dma_wait3A_36, %dma_wait3A_37] : memref<32x157x64xi32, #tpu.memory_space<hbm>> -> memref<1x157x64xi32, #tpu.memory_space<hbm>>
      %dma_wait3A_39 = tpu.memref_squeeze %dma_wait3A_38 : memref<1x157x64xi32, #tpu.memory_space<hbm>> -> memref<157x64xi32, #tpu.memory_space<hbm>>
      tpu.wait_dma2 semaphore(%run_scoped3A_23 : memref<!tpu.dma_semaphore, #tpu.memory_space<semaphore_mem>>) src(%dma_wait3A_39 : memref<157x64xi32, #tpu.memory_space<hbm>>) dst(%arg9 : memref<157x64xi32, #tpu.memory_space<vmem>>)
      tpu.yield
    }) : () -> ()
    %dma_start3A = arith.constant 0 : i32
    %dma_start3A_3 = arith.constant 0 : i32
    %dma_start3A_4 = tpu.memref_slice %arg8[%dma_start3A, %dma_start3A_3] : memref<157x64xi32, #tpu.memory_space<vmem>> -> memref<1x64xi32, #tpu.memory_space<vmem>>
    %dma_start3A_5 = tpu.memref_squeeze %dma_start3A_4 : memref<1x64xi32, #tpu.memory_space<vmem>> -> memref<64xi32, #tpu.memory_space<vmem>>
    %dma_start3A_6 = arith.constant 0 : i32
    %dma_start3A_7 = arith.constant 0 : i32
    %dma_start3A_8 = tpu.memref_slice %arg2[%dma_start3A_6, %dma_start3A_7] : memref<10240x128xf32, #tpu.memory_space<hbm>> -> memref<10240x128xf32, #tpu.memory_space<hbm>>
    tpu.enqueue_indirect_dma source(%dma_start3A_8 : memref<10240x128xf32, #tpu.memory_space<hbm>>) target(%arg10 : memref<64x128xf32, #tpu.memory_space<vmem>>) offsets(%dma_start3A_5 : memref<64xi32, #tpu.memory_space<vmem>>) semaphore(%arg12 : memref<!tpu.dma_semaphore, #tpu.memory_space<semaphore_mem>>)
    %scan3A = arith.constant 0 : i32
    %scan3A_9 = arith.constant 0 : i32
    %scan3A_10 = arith.constant 78 : i32
    %scan3A_11 = arith.addi %scan3A_9, %scan3A_10 : i32
    %scan3A_12 = arith.constant 1 : i32
    scf.for %scan3A_23 = %scan3A_9 to %scan3A_11 step %scan3A_12  : i32 {
      %mul3A_24 = arith.constant 2 : i32
      %mul3A_25 = arith.muli %mul3A_24, %scan3A_23 : i32
      %dma_wait3A_26 = arith.constant 0 : i32
      %dma_wait3A_27 = tpu.memref_slice %arg8[%mul3A_25, %dma_wait3A_26] : memref<157x64xi32, #tpu.memory_space<vmem>> -> memref<1x64xi32, #tpu.memory_space<vmem>>
      %dma_wait3A_28 = tpu.memref_squeeze %dma_wait3A_27 : memref<1x64xi32, #tpu.memory_space<vmem>> -> memref<64xi32, #tpu.memory_space<vmem>>
      %dma_wait3A_29 = arith.constant 0 : i32
      %dma_wait3A_30 = arith.constant 0 : i32
      %dma_wait3A_31 = tpu.memref_slice %arg2[%dma_wait3A_29, %dma_wait3A_30] : memref<10240x128xf32, #tpu.memory_space<hbm>> -> memref<10240x128xf32, #tpu.memory_space<hbm>>
      tpu.wait_indirect_dma semaphore(%arg12 : memref<!tpu.dma_semaphore, #tpu.memory_space<semaphore_mem>>) src(%dma_wait3A_31 : memref<10240x128xf32, #tpu.memory_space<hbm>>) dst(%arg10 : memref<64x128xf32, #tpu.memory_space<vmem>>)
      %add3A_32 = arith.constant 1 : i32
      %add3A_33 = arith.addi %mul3A_25, %add3A_32 : i32
      %dma_start3A_34 = arith.constant 0 : i32
      %dma_start3A_35 = tpu.memref_slice %arg8[%add3A_33, %dma_start3A_34] : memref<157x64xi32, #tpu.memory_space<vmem>> -> memref<1x64xi32, #tpu.memory_space<vmem>>
      %dma_start3A_36 = tpu.memref_squeeze %dma_start3A_35 : memref<1x64xi32, #tpu.memory_space<vmem>> -> memref<64xi32, #tpu.memory_space<vmem>>
      %dma_start3A_37 = arith.constant 0 : i32
      %dma_start3A_38 = arith.constant 0 : i32
      %dma_start3A_39 = tpu.memref_slice %arg2[%dma_start3A_37, %dma_start3A_38] : memref<10240x128xf32, #tpu.memory_space<hbm>> -> memref<10240x128xf32, #tpu.memory_space<hbm>>
      tpu.enqueue_indirect_dma source(%dma_start3A_39 : memref<10240x128xf32, #tpu.memory_space<hbm>>) target(%arg11 : memref<64x128xf32, #tpu.memory_space<vmem>>) offsets(%dma_start3A_36 : memref<64xi32, #tpu.memory_space<vmem>>) semaphore(%arg13 : memref<!tpu.dma_semaphore, #tpu.memory_space<semaphore_mem>>)
      "tpu.region"() ({
        %run_scoped3A_58 = tpu.sem_alloc : memref<!tpu.dma_semaphore, #tpu.memory_space<semaphore_mem>>
        %dma_start3A_59 = arith.constant 0 : i32
        %dma_start3A_60 = tpu.memref_slice %arg9[%mul3A_25, %dma_start3A_59] : memref<157x64xi32, #tpu.memory_space<vmem>> -> memref<1x64xi32, #tpu.memory_space<vmem>>
        %dma_start3A_61 = tpu.memref_squeeze %dma_start3A_60 : memref<1x64xi32, #tpu.memory_space<vmem>> -> memref<64xi32, #tpu.memory_space<vmem>>
        %dma_start3A_62 = arith.constant 0 : i32
        %dma_start3A_63 = arith.constant 0 : i32
        %dma_start3A_64 = tpu.memref_slice %arg7[%dma_start3A_62, %dma_start3A_63] : memref<10240x128xf32, #tpu.memory_space<vmem_shared>> -> memref<10240x128xf32, #tpu.memory_space<vmem_shared>>
        tpu.enqueue_indirect_dma source(%arg10 : memref<64x128xf32, #tpu.memory_space<vmem>>) target(%dma_start3A_64 : memref<10240x128xf32, #tpu.memory_space<vmem_shared>>) offsets(%dma_start3A_61 : memref<64xi32, #tpu.memory_space<vmem>>) semaphore(%run_scoped3A_58 : memref<!tpu.dma_semaphore, #tpu.memory_space<semaphore_mem>>) {add = true}
        %dma_wait3A_65 = arith.constant 0 : i32
        %dma_wait3A_66 = tpu.memref_slice %arg9[%mul3A_25, %dma_wait3A_65] : memref<157x64xi32, #tpu.memory_space<vmem>> -> memref<1x64xi32, #tpu.memory_space<vmem>>
        %dma_wait3A_67 = tpu.memref_squeeze %dma_wait3A_66 : memref<1x64xi32, #tpu.memory_space<vmem>> -> memref<64xi32, #tpu.memory_space<vmem>>
        %dma_wait3A_68 = arith.constant 0 : i32
        %dma_wait3A_69 = arith.constant 0 : i32
        %dma_wait3A_70 = tpu.memref_slice %arg7[%dma_wait3A_68, %dma_wait3A_69] : memref<10240x128xf32, #tpu.memory_space<vmem_shared>> -> memref<10240x128xf32, #tpu.memory_space<vmem_shared>>
        tpu.wait_indirect_dma semaphore(%run_scoped3A_58 : memref<!tpu.dma_semaphore, #tpu.memory_space<semaphore_mem>>) src(%arg10 : memref<64x128xf32, #tpu.memory_space<vmem>>) dst(%dma_wait3A_70 : memref<10240x128xf32, #tpu.memory_space<vmem_shared>>)
        tpu.yield
      }) : () -> ()
      %add3A_40 = arith.constant 1 : i32
      %add3A_41 = arith.addi %mul3A_25, %add3A_40 : i32
      %dma_wait3A_42 = arith.constant 0 : i32
      %dma_wait3A_43 = tpu.memref_slice %arg8[%add3A_41, %dma_wait3A_42] : memref<157x64xi32, #tpu.memory_space<vmem>> -> memref<1x64xi32, #tpu.memory_space<vmem>>
      %dma_wait3A_44 = tpu.memref_squeeze %dma_wait3A_43 : memref<1x64xi32, #tpu.memory_space<vmem>> -> memref<64xi32, #tpu.memory_space<vmem>>
      %dma_wait3A_45 = arith.constant 0 : i32
      %dma_wait3A_46 = arith.constant 0 : i32
      %dma_wait3A_47 = tpu.memref_slice %arg2[%dma_wait3A_45, %dma_wait3A_46] : memref<10240x128xf32, #tpu.memory_space<hbm>> -> memref<10240x128xf32, #tpu.memory_space<hbm>>
      tpu.wait_indirect_dma semaphore(%arg13 : memref<!tpu.dma_semaphore, #tpu.memory_space<semaphore_mem>>) src(%dma_wait3A_47 : memref<10240x128xf32, #tpu.memory_space<hbm>>) dst(%arg11 : memref<64x128xf32, #tpu.memory_space<vmem>>)
      %add3A_48 = arith.constant 2 : i32
      %add3A_49 = arith.addi %mul3A_25, %add3A_48 : i32
      %dma_start3A_50 = arith.constant 0 : i32
      %dma_start3A_51 = tpu.memref_slice %arg8[%add3A_49, %dma_start3A_50] : memref<157x64xi32, #tpu.memory_space<vmem>> -> memref<1x64xi32, #tpu.memory_space<vmem>>
      %dma_start3A_52 = tpu.memref_squeeze %dma_start3A_51 : memref<1x64xi32, #tpu.memory_space<vmem>> -> memref<64xi32, #tpu.memory_space<vmem>>
      %dma_start3A_53 = arith.constant 0 : i32
      %dma_start3A_54 = arith.constant 0 : i32
      %dma_start3A_55 = tpu.memref_slice %arg2[%dma_start3A_53, %dma_start3A_54] : memref<10240x128xf32, #tpu.memory_space<hbm>> -> memref<10240x128xf32, #tpu.memory_space<hbm>>
      tpu.enqueue_indirect_dma source(%dma_start3A_55 : memref<10240x128xf32, #tpu.memory_space<hbm>>) target(%arg10 : memref<64x128xf32, #tpu.memory_space<vmem>>) offsets(%dma_start3A_52 : memref<64xi32, #tpu.memory_space<vmem>>) semaphore(%arg12 : memref<!tpu.dma_semaphore, #tpu.memory_space<semaphore_mem>>)
      %add3A_56 = arith.constant 1 : i32
      %add3A_57 = arith.addi %mul3A_25, %add3A_56 : i32
      "tpu.region"() ({
        %run_scoped3A_58 = tpu.sem_alloc : memref<!tpu.dma_semaphore, #tpu.memory_space<semaphore_mem>>
        %dma_start3A_59 = arith.constant 0 : i32
        %dma_start3A_60 = tpu.memref_slice %arg9[%add3A_57, %dma_start3A_59] : memref<157x64xi32, #tpu.memory_space<vmem>> -> memref<1x64xi32, #tpu.memory_space<vmem>>
        %dma_start3A_61 = tpu.memref_squeeze %dma_start3A_60 : memref<1x64xi32, #tpu.memory_space<vmem>> -> memref<64xi32, #tpu.memory_space<vmem>>
        %dma_start3A_62 = arith.constant 0 : i32
        %dma_start3A_63 = arith.constant 0 : i32
        %dma_start3A_64 = tpu.memref_slice %arg7[%dma_start3A_62, %dma_start3A_63] : memref<10240x128xf32, #tpu.memory_space<vmem_shared>> -> memref<10240x128xf32, #tpu.memory_space<vmem_shared>>
        tpu.enqueue_indirect_dma source(%arg11 : memref<64x128xf32, #tpu.memory_space<vmem>>) target(%dma_start3A_64 : memref<10240x128xf32, #tpu.memory_space<vmem_shared>>) offsets(%dma_start3A_61 : memref<64xi32, #tpu.memory_space<vmem>>) semaphore(%run_scoped3A_58 : memref<!tpu.dma_semaphore, #tpu.memory_space<semaphore_mem>>) {add = true}
        %dma_wait3A_65 = arith.constant 0 : i32
        %dma_wait3A_66 = tpu.memref_slice %arg9[%add3A_57, %dma_wait3A_65] : memref<157x64xi32, #tpu.memory_space<vmem>> -> memref<1x64xi32, #tpu.memory_space<vmem>>
        %dma_wait3A_67 = tpu.memref_squeeze %dma_wait3A_66 : memref<1x64xi32, #tpu.memory_space<vmem>> -> memref<64xi32, #tpu.memory_space<vmem>>
        %dma_wait3A_68 = arith.constant 0 : i32
        %dma_wait3A_69 = arith.constant 0 : i32
        %dma_wait3A_70 = tpu.memref_slice %arg7[%dma_wait3A_68, %dma_wait3A_69] : memref<10240x128xf32, #tpu.memory_space<vmem_shared>> -> memref<10240x128xf32, #tpu.memory_space<vmem_shared>>
        tpu.wait_indirect_dma semaphore(%run_scoped3A_58 : memref<!tpu.dma_semaphore, #tpu.memory_space<semaphore_mem>>) src(%arg11 : memref<64x128xf32, #tpu.memory_space<vmem>>) dst(%dma_wait3A_70 : memref<10240x128xf32, #tpu.memory_space<vmem_shared>>)
        tpu.yield
      }) : () -> ()
    }
    %scan3A_13 = arith.constant 78 : i32
    %dma_wait3A = arith.constant 156 : i32
    %dma_wait3A_14 = arith.constant 0 : i32
    %dma_wait3A_15 = tpu.memref_slice %arg8[%dma_wait3A, %dma_wait3A_14] : memref<157x64xi32, #tpu.memory_space<vmem>> -> memref<1x64xi32, #tpu.memory_space<vmem>>
    %dma_wait3A_16 = tpu.memref_squeeze %dma_wait3A_15 : memref<1x64xi32, #tpu.memory_space<vmem>> -> memref<64xi32, #tpu.memory_space<vmem>>
    %dma_wait3A_17 = arith.constant 0 : i32
    %dma_wait3A_18 = arith.constant 0 : i32
    %dma_wait3A_19 = tpu.memref_slice %arg2[%dma_wait3A_17, %dma_wait3A_18] : memref<10240x128xf32, #tpu.memory_space<hbm>> -> memref<10240x128xf32, #tpu.memory_space<hbm>>
    tpu.wait_indirect_dma semaphore(%arg12 : memref<!tpu.dma_semaphore, #tpu.memory_space<semaphore_mem>>) src(%dma_wait3A_19 : memref<10240x128xf32, #tpu.memory_space<hbm>>) dst(%arg10 : memref<64x128xf32, #tpu.memory_space<vmem>>)
    %run_scoped3A = arith.constant 156 : i32
    "tpu.region"() ({
      %run_scoped3A_23 = tpu.sem_alloc : memref<!tpu.dma_semaphore, #tpu.memory_space<semaphore_mem>>
      %dma_start3A_24 = arith.constant 0 : i32
      %dma_start3A_25 = tpu.memref_slice %arg9[%run_scoped3A, %dma_start3A_24] : memref<157x64xi32, #tpu.memory_space<vmem>> -> memref<1x64xi32, #tpu.memory_space<vmem>>
      %dma_start3A_26 = tpu.memref_squeeze %dma_start3A_25 : memref<1x64xi32, #tpu.memory_space<vmem>> -> memref<64xi32, #tpu.memory_space<vmem>>
      %dma_start3A_27 = arith.constant 0 : i32
      %dma_start3A_28 = arith.constant 0 : i32
      %dma_start3A_29 = tpu.memref_slice %arg7[%dma_start3A_27, %dma_start3A_28] : memref<10240x128xf32, #tpu.memory_space<vmem_shared>> -> memref<10240x128xf32, #tpu.memory_space<vmem_shared>>
      tpu.enqueue_indirect_dma source(%arg10 : memref<64x128xf32, #tpu.memory_space<vmem>>) target(%dma_start3A_29 : memref<10240x128xf32, #tpu.memory_space<vmem_shared>>) offsets(%dma_start3A_26 : memref<64xi32, #tpu.memory_space<vmem>>) semaphore(%run_scoped3A_23 : memref<!tpu.dma_semaphore, #tpu.memory_space<semaphore_mem>>) {add = true}
      %dma_wait3A_30 = arith.constant 0 : i32
      %dma_wait3A_31 = tpu.memref_slice %arg9[%run_scoped3A, %dma_wait3A_30] : memref<157x64xi32, #tpu.memory_space<vmem>> -> memref<1x64xi32, #tpu.memory_space<vmem>>
      %dma_wait3A_32 = tpu.memref_squeeze %dma_wait3A_31 : memref<1x64xi32, #tpu.memory_space<vmem>> -> memref<64xi32, #tpu.memory_space<vmem>>
      %dma_wait3A_33 = arith.constant 0 : i32
      %dma_wait3A_34 = arith.constant 0 : i32
      %dma_wait3A_35 = tpu.memref_slice %arg7[%dma_wait3A_33, %dma_wait3A_34] : memref<10240x128xf32, #tpu.memory_space<vmem_shared>> -> memref<10240x128xf32, #tpu.memory_space<vmem_shared>>
      tpu.wait_indirect_dma semaphore(%run_scoped3A_23 : memref<!tpu.dma_semaphore, #tpu.memory_space<semaphore_mem>>) src(%arg10 : memref<64x128xf32, #tpu.memory_space<vmem>>) dst(%dma_wait3A_35 : memref<10240x128xf32, #tpu.memory_space<vmem_shared>>)
      tpu.yield
    }) : () -> ()
    %barrier3A_20 = arith.constant 0 : index
    tpu.barrier barrier_id(%barrier3A_20)
    %mul3A_21 = arith.constant 640 : i32
    %mul3A_22 = arith.muli %arg1, %mul3A_21 : i32
    "tpu.region"() ({
      %run_scoped3A_23 = tpu.sem_alloc : memref<!tpu.dma_semaphore, #tpu.memory_space<semaphore_mem>>
      %dma_start3A_24 = arith.constant 0 : i32
      %dma_start3A_25 = tpu.memref_slice %arg6[%arg0, %mul3A_22, %dma_start3A_24] : memref<2x10240x128xf32, #tpu.memory_space<hbm>> -> memref<1x640x128xf32, #tpu.memory_space<hbm>>
      %dma_start3A_26 = tpu.memref_squeeze %dma_start3A_25 : memref<1x640x128xf32, #tpu.memory_space<hbm>> -> memref<640x128xf32, #tpu.memory_space<hbm>>
      %dma_start3A_27 = arith.constant 0 : i32
      %dma_start3A_28 = tpu.memref_slice %arg7[%mul3A_22, %dma_start3A_27] : memref<10240x128xf32, #tpu.memory_space<vmem_shared>> -> memref<640x128xf32, #tpu.memory_space<vmem_shared>>
      tpu.enqueue_dma source(%dma_start3A_28 : memref<640x128xf32, #tpu.memory_space<vmem_shared>>) target(%dma_start3A_26 : memref<640x128xf32, #tpu.memory_space<hbm>>) target_semaphore(%run_scoped3A_23 : memref<!tpu.dma_semaphore, #tpu.memory_space<semaphore_mem>>)
      %dma_wait3A_29 = arith.constant 0 : i32
      %dma_wait3A_30 = tpu.memref_slice %arg6[%arg0, %mul3A_22, %dma_wait3A_29] : memref<2x10240x128xf32, #tpu.memory_space<hbm>> -> memref<1x640x128xf32, #tpu.memory_space<hbm>>
      %dma_wait3A_31 = tpu.memref_squeeze %dma_wait3A_30 : memref<1x640x128xf32, #tpu.memory_space<hbm>> -> memref<640x128xf32, #tpu.memory_space<hbm>>
      %dma_wait3A_32 = arith.constant 0 : i32
      %dma_wait3A_33 = tpu.memref_slice %arg7[%mul3A_22, %dma_wait3A_32] : memref<10240x128xf32, #tpu.memory_space<vmem_shared>> -> memref<640x128xf32, #tpu.memory_space<vmem_shared>>
      tpu.wait_dma2 semaphore(%run_scoped3A_23 : memref<!tpu.dma_semaphore, #tpu.memory_space<semaphore_mem>>) src(%dma_wait3A_33 : memref<640x128xf32, #tpu.memory_space<vmem_shared>>) dst(%dma_wait3A_31 : memref<640x128xf32, #tpu.memory_space<hbm>>)
      tpu.yield
    }) : () -> ()
    return
  }
}

module attributes {stable_mosaic.version = 14 : i64} {
  func.func @_mm1_body(%arg0: i32, %arg1: memref<1280x128xf32, #tpu.memory_space<vmem>>, %arg2: memref<128x128xf32, #tpu.memory_space<vmem>>, %arg3: memref<1x128xf32, #tpu.memory_space<vmem>>, %arg4: memref<1280x1xf32, #tpu.memory_space<vmem>>, %arg5: memref<1280x128xf32, #tpu.memory_space<vmem>>) attributes {dimension_semantics = [#tpu.dimension_semantics<arbitrary>], iteration_bounds = array<i64: 8>, scalar_prefetch = 0 : i64, scratch_operands = 0 : i64, tpu.core_type = #tpu.core_type<tc>, window_params = [{transform_indices = @transform_0, window_bounds = array<i64: 1280, 128>}, {pipeline_mode = #tpu.pipeline_mode<synchronous>, transform_indices = @transform_1, window_bounds = array<i64: 128, 128>}, {pipeline_mode = #tpu.pipeline_mode<synchronous>, transform_indices = @transform_2, window_bounds = array<i64: 1, 128>}, {transform_indices = @transform_3, window_bounds = array<i64: 1280, 1>}, {transform_indices = @transform_4, window_bounds = array<i64: 1280, 128>}]} {
    %get3A = arith.constant 0 : index
    %get3A_0 = arith.constant 0 : index
    %get3A_1 = vector.load %arg1[%get3A, %get3A_0] : memref<1280x128xf32, #tpu.memory_space<vmem>>, vector<1280x128xf32>
    %get3A_2 = arith.constant 0 : index
    %get3A_3 = arith.constant 0 : index
    %get3A_4 = vector.load %arg2[%get3A_2, %get3A_3] : memref<128x128xf32, #tpu.memory_space<vmem>>, vector<128x128xf32>
    %dot_general3A = arith.constant dense<0.000000e+00> : vector<1280x128xf32>
    %dot_general3A_5 = tpu.matmul %get3A_1, %get3A_4, %dot_general3A {dimension_numbers = #tpu.dot_dimension_numbers<[1], [0], [0], [1], [0, 0, 1, 1], [], []>, transpose_lhs_hint = false} : vector<1280x128xf32>, vector<128x128xf32>, vector<1280x128xf32> -> vector<1280x128xf32>
    %get3A_6 = arith.constant 0 : index
    %get3A_7 = arith.constant 0 : index
    %get3A_8 = vector.load %arg4[%get3A_6, %get3A_7] : memref<1280x1xf32, #tpu.memory_space<vmem>>, vector<1280x1xf32>
    %get3A_9 = arith.constant 0 : index
    %get3A_10 = arith.constant 0 : index
    %get3A_11 = vector.load %arg3[%get3A_9, %get3A_10] : memref<1x128xf32, #tpu.memory_space<vmem>>, vector<1x128xf32>
    %add3A = vector.broadcast %get3A_11 : vector<1x128xf32> to vector<1280x128xf32>
    %add3A_12 = arith.addf %dot_general3A_5, %add3A : vector<1280x128xf32>
    %mul3A = vector.broadcast %get3A_8 : vector<1280x1xf32> to vector<1280x128xf32>
    %mul3A_13 = arith.mulf %mul3A, %add3A_12 : vector<1280x128xf32>
    %swap3A = arith.constant 0 : index
    %swap3A_14 = arith.constant 0 : index
    %swap3A_15 = vector.load %arg5[%swap3A, %swap3A_14] : memref<1280x128xf32, #tpu.memory_space<vmem>>, vector<1280x128xf32>
    tpu.vector_store %arg5[%swap3A, %swap3A_14], %mul3A_13 {strides = array<i32>} : memref<1280x128xf32, #tpu.memory_space<vmem>>, vector<1280x128xf32>,
    return
  }
  func.func @transform_0(%arg0: i32) -> (i32, i32) {
    %c0_i32 = arith.constant 0 : i32
    %c0_i32_0 = arith.constant 0 : i32
    return %arg0, %c0_i32 : i32, i32
  }
  func.func @transform_1(%arg0: i32) -> (i32, i32) {
    %c0_i32 = arith.constant 0 : i32
    %c0_i32_0 = arith.constant 0 : i32
    %c0_i32_1 = arith.constant 0 : i32
    return %c0_i32, %c0_i32_0 : i32, i32
  }
  func.func @transform_2(%arg0: i32) -> (i32, i32) {
    %c0_i32 = arith.constant 0 : i32
    %c0_i32_0 = arith.constant 0 : i32
    %c0_i32_1 = arith.constant 0 : i32
    return %c0_i32, %c0_i32_0 : i32, i32
  }
  func.func @transform_3(%arg0: i32) -> (i32, i32) {
    %c0_i32 = arith.constant 0 : i32
    %c0_i32_0 = arith.constant 0 : i32
    return %arg0, %c0_i32 : i32, i32
  }
  func.func @transform_4(%arg0: i32) -> (i32, i32) {
    %c0_i32 = arith.constant 0 : i32
    %c0_i32_0 = arith.constant 0 : i32
    return %arg0, %c0_i32 : i32, i32
  }
}

module attributes {stable_mosaic.version = 14 : i64} {
  func.func @_mm2_body(%arg0: i32, %arg1: memref<1280x128xf32, #tpu.memory_space<vmem>>, %arg2: memref<1280x128xf32, #tpu.memory_space<vmem>>, %arg3: memref<1280x128xf32, #tpu.memory_space<vmem>>, %arg4: memref<1280x1xf32, #tpu.memory_space<vmem>>, %arg5: memref<128x64xf32, #tpu.memory_space<vmem>>, %arg6: memref<1x64xf32, #tpu.memory_space<vmem>>, %arg7: memref<1280x128xf32, #tpu.memory_space<vmem>>, %arg8: memref<1280x64xf32, #tpu.memory_space<vmem>>) attributes {dimension_semantics = [#tpu.dimension_semantics<arbitrary>], iteration_bounds = array<i64: 8>, scalar_prefetch = 0 : i64, scratch_operands = 0 : i64, tpu.core_type = #tpu.core_type<tc>, window_params = [{transform_indices = @transform_0, window_bounds = array<i64: 1280, 128>}, {transform_indices = @transform_1, window_bounds = array<i64: 1280, 128>}, {transform_indices = @transform_2, window_bounds = array<i64: 1280, 128>}, {transform_indices = @transform_3, window_bounds = array<i64: 1280, 1>}, {pipeline_mode = #tpu.pipeline_mode<synchronous>, transform_indices = @transform_4, window_bounds = array<i64: 128, 64>}, {pipeline_mode = #tpu.pipeline_mode<synchronous>, transform_indices = @transform_5, window_bounds = array<i64: 1, 64>}, {transform_indices = @transform_6, window_bounds = array<i64: 1280, 128>}, {transform_indices = @transform_7, window_bounds = array<i64: 1280, 64>}]} {
    %get3A = arith.constant 0 : index
    %get3A_0 = arith.constant 0 : index
    %get3A_1 = vector.load %arg4[%get3A, %get3A_0] : memref<1280x1xf32, #tpu.memory_space<vmem>>, vector<1280x1xf32>
    %get3A_2 = arith.constant 0 : index
    %get3A_3 = arith.constant 0 : index
    %get3A_4 = vector.load %arg1[%get3A_2, %get3A_3] : memref<1280x128xf32, #tpu.memory_space<vmem>>, vector<1280x128xf32>
    %get3A_5 = arith.constant 0 : index
    %get3A_6 = arith.constant 0 : index
    %get3A_7 = vector.load %arg2[%get3A_5, %get3A_6] : memref<1280x128xf32, #tpu.memory_space<vmem>>, vector<1280x128xf32>
    %add3A = arith.addf %get3A_4, %get3A_7 : vector<1280x128xf32>
    %get3A_8 = arith.constant 0 : index
    %get3A_9 = arith.constant 0 : index
    %get3A_10 = vector.load %arg3[%get3A_8, %get3A_9] : memref<1280x128xf32, #tpu.memory_space<vmem>>, vector<1280x128xf32>
    %add3A_11 = arith.addf %add3A, %get3A_10 : vector<1280x128xf32>
    %mul3A = vector.broadcast %get3A_1 : vector<1280x1xf32> to vector<1280x128xf32>
    %mul3A_12 = arith.mulf %mul3A, %add3A_11 : vector<1280x128xf32>
    %max3A = arith.constant 0.000000e+00 : f32
    %max3A_13 = vector.broadcast %max3A : f32 to vector<1280x128xf32>
    %max3A_14 = arith.maximumf %mul3A_12, %max3A_13 : vector<1280x128xf32>
    %swap3A = arith.constant 0 : index
    %swap3A_15 = arith.constant 0 : index
    %swap3A_16 = vector.load %arg7[%swap3A, %swap3A_15] : memref<1280x128xf32, #tpu.memory_space<vmem>>, vector<1280x128xf32>
    tpu.vector_store %arg7[%swap3A, %swap3A_15], %max3A_14 {strides = array<i32>} : memref<1280x128xf32, #tpu.memory_space<vmem>>, vector<1280x128xf32>,
    %get3A_17 = arith.constant 0 : index
    %get3A_18 = arith.constant 0 : index
    %get3A_19 = vector.load %arg5[%get3A_17, %get3A_18] : memref<128x64xf32, #tpu.memory_space<vmem>>, vector<128x64xf32>
    %dot_general3A = arith.constant dense<0.000000e+00> : vector<1280x64xf32>
    %dot_general3A_20 = tpu.matmul %max3A_14, %get3A_19, %dot_general3A {dimension_numbers = #tpu.dot_dimension_numbers<[1], [0], [0], [1], [0, 0, 1, 1], [], []>, transpose_lhs_hint = false} : vector<1280x128xf32>, vector<128x64xf32>, vector<1280x64xf32> -> vector<1280x64xf32>
    %get3A_21 = arith.constant 0 : index
    %get3A_22 = arith.constant 0 : index
    %get3A_23 = vector.load %arg4[%get3A_21, %get3A_22] : memref<1280x1xf32, #tpu.memory_space<vmem>>, vector<1280x1xf32>
    %get3A_24 = arith.constant 0 : index
    %get3A_25 = arith.constant 0 : index
    %get3A_26 = vector.load %arg6[%get3A_24, %get3A_25] : memref<1x64xf32, #tpu.memory_space<vmem>>, vector<1x64xf32>
    %add3A_27 = vector.broadcast %get3A_26 : vector<1x64xf32> to vector<1280x64xf32>
    %add3A_28 = arith.addf %dot_general3A_20, %add3A_27 : vector<1280x64xf32>
    %mul3A_29 = vector.broadcast %get3A_23 : vector<1280x1xf32> to vector<1280x64xf32>
    %mul3A_30 = arith.mulf %mul3A_29, %add3A_28 : vector<1280x64xf32>
    %swap3A_31 = arith.constant 0 : index
    %swap3A_32 = arith.constant 0 : index
    %swap3A_33 = vector.load %arg8[%swap3A_31, %swap3A_32] : memref<1280x64xf32, #tpu.memory_space<vmem>>, vector<1280x64xf32>
    tpu.vector_store %arg8[%swap3A_31, %swap3A_32], %mul3A_30 {strides = array<i32>} : memref<1280x64xf32, #tpu.memory_space<vmem>>, vector<1280x64xf32>,
    return
  }
  func.func @transform_0(%arg0: i32) -> (i32, i32) {
    %c0_i32 = arith.constant 0 : i32
    %c0_i32_0 = arith.constant 0 : i32
    return %arg0, %c0_i32 : i32, i32
  }
  func.func @transform_1(%arg0: i32) -> (i32, i32) {
    %c0_i32 = arith.constant 0 : i32
    %c0_i32_0 = arith.constant 0 : i32
    return %arg0, %c0_i32 : i32, i32
  }
  func.func @transform_2(%arg0: i32) -> (i32, i32) {
    %c0_i32 = arith.constant 0 : i32
    %c0_i32_0 = arith.constant 0 : i32
    return %arg0, %c0_i32 : i32, i32
  }
  func.func @transform_3(%arg0: i32) -> (i32, i32) {
    %c0_i32 = arith.constant 0 : i32
    %c0_i32_0 = arith.constant 0 : i32
    return %arg0, %c0_i32 : i32, i32
  }
  func.func @transform_4(%arg0: i32) -> (i32, i32) {
    %c0_i32 = arith.constant 0 : i32
    %c0_i32_0 = arith.constant 0 : i32
    %c0_i32_1 = arith.constant 0 : i32
    return %c0_i32, %c0_i32_0 : i32, i32
  }
  func.func @transform_5(%arg0: i32) -> (i32, i32) {
    %c0_i32 = arith.constant 0 : i32
    %c0_i32_0 = arith.constant 0 : i32
    %c0_i32_1 = arith.constant 0 : i32
    return %c0_i32, %c0_i32_0 : i32, i32
  }
  func.func @transform_6(%arg0: i32) -> (i32, i32) {
    %c0_i32 = arith.constant 0 : i32
    %c0_i32_0 = arith.constant 0 : i32
    return %arg0, %c0_i32 : i32, i32
  }
  func.func @transform_7(%arg0: i32) -> (i32, i32) {
    %c0_i32 = arith.constant 0 : i32
    %c0_i32_0 = arith.constant 0 : i32
    return %arg0, %c0_i32 : i32, i32
  }
}

module attributes {stable_mosaic.version = 14 : i64} {
  func.func @_fin_body(%arg0: i32, %arg1: memref<1280x64xf32, #tpu.memory_space<vmem>>, %arg2: memref<1280x64xf32, #tpu.memory_space<vmem>>, %arg3: memref<1280x64xf32, #tpu.memory_space<vmem>>, %arg4: memref<1280x1xf32, #tpu.memory_space<vmem>>, %arg5: memref<1280x64xf32, #tpu.memory_space<vmem>>) attributes {dimension_semantics = [#tpu.dimension_semantics<arbitrary>], iteration_bounds = array<i64: 8>, scalar_prefetch = 0 : i64, scratch_operands = 0 : i64, tpu.core_type = #tpu.core_type<tc>, window_params = [{transform_indices = @transform_0, window_bounds = array<i64: 1280, 64>}, {transform_indices = @transform_1, window_bounds = array<i64: 1280, 64>}, {transform_indices = @transform_2, window_bounds = array<i64: 1280, 64>}, {transform_indices = @transform_3, window_bounds = array<i64: 1280, 1>}, {transform_indices = @transform_4, window_bounds = array<i64: 1280, 64>}]} {
    %get3A = arith.constant 0 : index
    %get3A_0 = arith.constant 0 : index
    %get3A_1 = vector.load %arg4[%get3A, %get3A_0] : memref<1280x1xf32, #tpu.memory_space<vmem>>, vector<1280x1xf32>
    %get3A_2 = arith.constant 0 : index
    %get3A_3 = arith.constant 0 : index
    %get3A_4 = vector.load %arg1[%get3A_2, %get3A_3] : memref<1280x64xf32, #tpu.memory_space<vmem>>, vector<1280x64xf32>
    %get3A_5 = arith.constant 0 : index
    %get3A_6 = arith.constant 0 : index
    %get3A_7 = vector.load %arg2[%get3A_5, %get3A_6] : memref<1280x64xf32, #tpu.memory_space<vmem>>, vector<1280x64xf32>
    %add3A = arith.addf %get3A_4, %get3A_7 : vector<1280x64xf32>
    %get3A_8 = arith.constant 0 : index
    %get3A_9 = arith.constant 0 : index
    %get3A_10 = vector.load %arg3[%get3A_8, %get3A_9] : memref<1280x64xf32, #tpu.memory_space<vmem>>, vector<1280x64xf32>
    %add3A_11 = arith.addf %add3A, %get3A_10 : vector<1280x64xf32>
    %mul3A = vector.broadcast %get3A_1 : vector<1280x1xf32> to vector<1280x64xf32>
    %mul3A_12 = arith.mulf %mul3A, %add3A_11 : vector<1280x64xf32>
    %swap3A = arith.constant 0 : index
    %swap3A_13 = arith.constant 0 : index
    %swap3A_14 = vector.load %arg5[%swap3A, %swap3A_13] : memref<1280x64xf32, #tpu.memory_space<vmem>>, vector<1280x64xf32>
    tpu.vector_store %arg5[%swap3A, %swap3A_13], %mul3A_12 {strides = array<i32>} : memref<1280x64xf32, #tpu.memory_space<vmem>>, vector<1280x64xf32>,
    return
  }
  func.func @transform_0(%arg0: i32) -> (i32, i32) {
    %c0_i32 = arith.constant 0 : i32
    %c0_i32_0 = arith.constant 0 : i32
    return %arg0, %c0_i32 : i32, i32
  }
  func.func @transform_1(%arg0: i32) -> (i32, i32) {
    %c0_i32 = arith.constant 0 : i32
    %c0_i32_0 = arith.constant 0 : i32
    return %arg0, %c0_i32 : i32, i32
  }
  func.func @transform_2(%arg0: i32) -> (i32, i32) {
    %c0_i32 = arith.constant 0 : i32
    %c0_i32_0 = arith.constant 0 : i32
    return %arg0, %c0_i32 : i32, i32
  }
  func.func @transform_3(%arg0: i32) -> (i32, i32) {
    %c0_i32 = arith.constant 0 : i32
    %c0_i32_0 = arith.constant 0 : i32
    return %arg0, %c0_i32 : i32, i32
  }
  func.func @transform_4(%arg0: i32) -> (i32, i32) {
    %c0_i32 = arith.constant 0 : i32
    %c0_i32_0 = arith.constant 0 : i32
    return %arg0, %c0_i32 : i32, i32
  }
}

</mosaic_0001>

<sc_bundles>
// kernel: kernel.11.cloned.1.call-start
scs
__scs_entry_jumppad:
0x0: {  	(pc) =	sbr.rel $0x88, $3  }
0x1: {  	(tag) =	ssettag $0x0;
	lr =	simm.s32 $0x1  }
0x2: {  	[smem:$0x3F9B] =	sst lr;
	_ =	strace $0xD0000000  }
0x3: {  	_ = 	snop  }
0x4: {  	_ = 	snop  }
0x5: {  	_ = 	snop  }
0x6: {  	_ = 	snop  }
0x7: {  	_ = 	snop  }
__scs_overlays_trampoline_lowered:
0x8: {  	[smem:$0x3FAA] =	sst s0  }
0x9: {  	[smem:$0x3FAB] =	sst s1  }
0xa: {  	[smem:$0x3FAC] =	sst s2  }
0xb: {  	[smem:$0x3FAD] =	sst s3  }
0xc: {  	[smem:$0x3FAE] =	sst s4  }
0xd: {  	[smem:$0x3FAF] =	sst s5  }
0xe: {  	[smem:$0x3FB0] =	sst s6  }
0xf: {  	[smem:$0x3FB1] =	sst s7  }
0x10: {  	[smem:$0x3FB2] =	sst s8  }
0x11: {  	[smem:$0x3FB3] =	sst s9;
	s0 =	simm.s32 @!p0 $0x0  }
0x12: {  	s1 =	sld [smem:$0x3F99];
	s0 =	simm.s32 @p0 $0x1  }
0x13: {  	[smem:$0x3FB4] =	sst s0;
	s0 =	simm.s32 @!p1 $0x0  }
0x14: {  	s2 =	sld [smem:$0x3F98];
	s0 =	simm.s32 @p1 $0x1  }
0x15: {  	[smem:$0x3FB5] =	sst s0;
	s0 =	simm.s32 @!p2 $0x0  }
0x16: {  	s3 =	sld [smem:$0x3FDB];
	s0 =	simm.s32 @p2 $0x1  }
0x17: {  	s4 =	simm.s32 $0x1BF5;
	[smem:$0x3FB7] =	sst s0  }
0x18: {  	s0 =	sld [smem:$0x3F9A];
	_ =	swait.ge [sflag:s4], $0x0  }
0x19: {  	s7 =	sld [smem:$0x3F9B]  }
0x1a: {  	s8 =	sadd.s32 $0xFFFFE003, lr  }
0x1b: {  	s9 =	sadd.s32 $0xFFFFFEF7, lr;
	s5 =	simm.s32 $0xFFFFFFFF;
	p2 =	slt.u32 s8, $0xFFFFF086  }
0x1c: {  	p1 =	slt.u32 s9, $0xF7A;
	s5 =	simm.s32 @!p2 $0x0  }
0x1d: {  	s5 =	simm.s32 @p1 $0x1;
	p0 =	seq.s32 s7, s2  }
0x1e: {  	s7 =	smul.u32 @!p0 $0xF7A, s2;
	p2 =	seq.s32 @!p0 s5, $0x0  }
0x1f: {  	s9 =	smul.u32 $0xF7A, s1;
	s8 =	simm.s32 @!p0 $0x1BF5;
	p2 =	por !p2, p0  }
0x20: {  	[sflag:s8] =	ssyncset.s32 @!p0 $0xFFFFF086;
	s6 =	sadd.s32 @!p0 s3, s7;
	s7 =	simm.s32 @!p0 $0x108  }
0x21: {  	s3 =	sadd.s32 s3, s9;
	s6 =	sadd.s32 @!p0 $0x88, s6;
	s7 =	simm.s32 @p2 $0x1082  }
0x22: {  	[simem:s7], [sflag:s8] =	dma.local @!p0 [hbm:s6], $0xF7A  }
0x23: {  	s9 =	sor.u32 $0xD0000000, s2;
	s6 =	simm.s32 $0x108;
	_ =	swait.ge @!p0 [sflag:s8], $0x0  }
0x24: {  	s3 =	sadd.s32 $0x88, s3;
	s6 =	simm.s32 @!p1 $0x1082;
	[sflag:s4] =	ssyncset.s32 $0xFFFFF086  }
0x25: {  	[simem:s6], [sflag:s4] =	dma.local [hbm:s3], $0xF7A  }
0x26: {  	[smem:$0x3F9B] =	sst s1;
	(tag) =	ssettag s2;
	_ =	strace s9  }
0x27: {  	s1 =	sld [smem:$0x3FAB]  }
0x28: {  	s2 =	sld [smem:$0x3FAC]  }
0x29: {  	s4 =	sld [smem:$0x3FAE]  }
0x2a: {  	p0 =	seq.s32 s5, $0x0;
	s5 =	sld [smem:$0x3FAF]  }
0x2b: {  	s6 =	sld [smem:$0x3FB0]  }
0x2c: {  	s7 =	sld [smem:$0x3FB1]  }
0x2d: {  	s3 =	simm.s32 $0x108;
	s8 =	sld [smem:$0x3FB2]  }
0x2e: {  	s3 =	simm.s32 @!p0 $0x1082;
	s9 =	sld [smem:$0x3FB3]  }
0x2f: {  	lr =	sadd.s32 s0, s3;
	s0 =	sld [smem:$0x3FAA]  }
0x30: {  	s3 =	sld [smem:$0x3FAD]  }
0x31: {  	[smem:$0x3FB6] =	sst s10  }
0x32: {  	s10 =	sld [smem:$0x3FB4];
	_ =	sdelay $0x3  }
0x33: {  	p0 =	seq.s32 s10, $0x1;
	s10 =	sld [smem:$0x3FB6];
	_ =	sdelay $0x3  }
0x34: {  	[smem:$0x3FB6] =	sst s10  }
0x35: {  	s10 =	sld [smem:$0x3FB5];
	_ =	sdelay $0x3  }
0x36: {  	p1 =	seq.s32 s10, $0x1;
	s10 =	sld [smem:$0x3FB6];
	_ =	sdelay $0x3  }
0x37: {  	[smem:$0x3FB6] =	sst s10  }
0x38: {  	s10 =	sld [smem:$0x3FB7]  }
0x39: {  	_ = 	snop;
	(pc) =	sbr.ind lr, $3  }
0x3a: {  	_ = 	snop  }
0x3b: {  	_ = 	snop  }
0x3c: {  	p2 =	seq.s32 s10, $0x1;
	s10 =	sld [smem:$0x3FB6]  }
0x3d: {  	_ =	shalt  }
0x3e: {  	_ =	shalt  }
0x3f: {  	_ =	shalt  }
0x40: {  	_ =	shalt  }
0x41: {  	_ =	shalt  }
0x42: {  	_ =	shalt  }
0x43: {  	_ =	shalt  }
0x44: {  	_ =	shalt  }
0x45: {  	_ =	shalt  }
0x46: {  	_ =	shalt  }
0x47: {  	_ =	shalt  }
0x48: {  	_ =	shalt  }
0x49: {  	_ =	shalt  }
0x4a: {  	_ =	shalt  }
0x4b: {  	_ =	shalt  }
0x4c: {  	_ =	shalt  }
0x4d: {  	_ =	shalt  }
0x4e: {  	_ =	shalt  }
0x4f: {  	_ =	shalt  }
0x50: {  	_ =	shalt  }
0x51: {  	_ =	shalt  }
0x52: {  	_ =	shalt  }
0x53: {  	_ =	shalt  }
0x54: {  	_ =	shalt  }
0x55: {  	_ =	shalt  }
0x56: {  	_ =	shalt  }
0x57: {  	_ =	shalt  }
0x58: {  	_ =	shalt  }
0x59: {  	_ =	shalt  }
0x5a: {  	_ =	shalt  }
0x5b: {  	_ =	shalt  }
0x5c: {  	_ =	shalt  }
0x5d: {  	_ =	shalt  }
0x5e: {  	_ =	shalt  }
0x5f: {  	_ =	shalt  }
0x60: {  	_ =	shalt  }
0x61: {  	_ =	shalt  }
0x62: {  	_ =	shalt  }
0x63: {  	_ =	shalt  }
0x64: {  	_ =	shalt  }
0x65: {  	_ =	shalt  }
0x66: {  	_ =	shalt  }
0x67: {  	_ =	shalt  }
0x68: {  	_ =	shalt  }
0x69: {  	_ =	shalt  }
0x6a: {  	_ =	shalt  }
0x6b: {  	_ =	shalt  }
0x6c: {  	_ =	shalt  }
0x6d: {  	_ =	shalt  }
0x6e: {  	_ =	shalt  }
0x6f: {  	_ =	shalt  }
0x70: {  	_ =	shalt  }
0x71: {  	_ =	shalt  }
0x72: {  	_ =	shalt  }
0x73: {  	_ =	shalt  }
0x74: {  	_ =	shalt  }
0x75: {  	_ =	shalt  }
0x76: {  	_ =	shalt  }
0x77: {  	_ =	shalt  }
0x78: {  	_ =	shalt  }
0x79: {  	_ =	shalt  }
0x7a: {  	_ =	shalt  }
0x7b: {  	_ =	shalt  }
0x7c: {  	_ =	shalt  }
0x7d: {  	_ =	shalt  }
0x7e: {  	_ =	shalt  }
0x7f: {  	_ =	shalt  }
0x80: {  	_ =	shalt  }
0x81: {  	_ =	shalt  }
0x82: {  	_ =	shalt  }
0x83: {  	_ =	shalt  }
0x84: {  	_ =	shalt  }
0x85: {  	_ =	shalt  }
0x86: {  	_ =	shalt  }
0x87: {  	_ =	shalt  }
.Lfunc_end0:
.L_simem_size_0:
called_computation.1_lowered:
.L_overlay_start_0:
0x88: {  	s2 =	sld [smem:$0x3FD9]  }
0x89: {  	s3 =	sld [smem:$0x3FFE];
	_ =	sdelay $0x1  }
0x8a: {  	s1 =	srdreg.scid  }
0x8b: {  	s0 =	sand.u32 $0x1, s1  }
0x8c: {  	s14 =	sshll.u32 s0, $0xA;
	s2 =	sadd.s32 s3, s2  }
0x8d: {  	s2 =	sadd.s32 s2, s14  }
0x8e: {  	[smem:$0x3FC2] =	sst s2  }
0x8f: {  	_ = 	snop  }
0x90: {  	s2 =	sld [smem:$0x3FD0];
	_ =	sdelay $0x2  }
0x91: {  	s15 =	simm.s32 $0xA;
	s4 =	simm.s32 $0x10  }
0x92: {  	[smem:s4], [sflag:s15] =	dma.local [hbm:s2], $0x1  }
0x93: {  	_ =	swait.eq [sflag:s15], $0x1  }
0x94: {  	[sflag:s15] =	ssyncset.done $0x0  }
0x95: {  	[sflag:s15] =	ssyncadd.s32 $0xFFFFFFFF  }
0x96: {  	s16 =	sld [smem:$0x11];
	(tm) =	ssettm $0x1  }
0x97: {  	s17 =	sld [smem:$0x3FFB];
	_ =	sdelay $0x3  }
0x98: {  	_ =	strace s17  }
0x99: {  	s3 =	sld [smem:$0x3FFC];
	_ =	sdelay $0x3  }
0x9a: {  	_ =	strace s3  }
0x9b: {  	s3 =	sld [smem:$0x3FFD];
	_ =	sdelay $0x3  }
0x9c: {  	_ =	strace s3  }
0x9d: {  	_ =	strace $0x8FFFFFFF  }
0x9e: {  	s18 =	sld [smem:$0x3FDB];
	_ =	sdelay $0x1  }
0x9f: {  	s19 =	simm.s32 $_scs_section_size  }
0xa0: {  	s5 =	simm.s32 $_size__tile_overlayer_lowered;
	s6 =	simm.s32 $_tile_overlayer_lowered  }
0xa1: {  	s22 =	simm.s32 $0x1BFF;
	s21 =	sshll.u32 s6, $0x1;
	s3 =	sadd.s32 s19, s18  }
0xa2: {  	s7 =	simm.s32 $0x0;
	s20 =	sshll.u32 s5, $0x1;
	s5 =	sadd.s32 s21, s3  }
0xa3: {  	[timem:s7], [sflag:s22] =	dma.local [hbm:s5], s20  }
0xa4: {  	_ =	swait.ge [sflag:s22], s20  }
0xa5: {  	s4 =	ssub.s32 $0x0, s20;
	[sflag:s22] =	ssyncset.done $0x0  }
0xa6: {  	[sflag:s22] =	ssyncadd.s32 s4;
	_ =	sdelay $0x1  }
0xa7: {  	s23 =	simm.s32 $0x1B8B  }
0xa8: {  	_ =	swait.ge [sflag:s23], $0x1  }
0xa9: {  	[sflag:s23] =	ssyncset.done $0x0  }
0xaa: {  	s25 =	simm.s32 $0x1B8E;
	s24 =	sld [smem:$0x3FFE];
	[sflag:s23] =	ssyncadd.s32 $0xFFFFFFFF  }
0xab: {  	s26 =	simm.s32 $execute0_lowered;
	[smem:$0x3FD2] =	sst s25  }
0xac: {  	s5 =	sshll.u32 s26, $0x1;
	_ =	strace $0x80000049;
	[dreg:$0x1] =	wrdreg $0xFFFFFFFF  }
0xad: {  	s28 =	simm.s32 $_size_execute0_lowered;
	s3 =	sadd.s32 s3, s5;
	[dreg:$0x0] =	wrdreg $0x0  }
0xae: {  	s5 =	sshll.u32 s28, $0x1;
	[dreg:$0x2] =	wrdreg s3  }
0xaf: {  	[dreg:$0x3] =	wrdreg s5  }
0xb0: {  	[dreg:$0x4] =	wrdreg $0xC0  }
0xb1: {  	_ =	task [dreg:s7], $0x5FFFF  }
0xb2: {  	[dreg:$0x1] =	wrdreg $0xFFFFFFFF  }
0xb3: {  	[dreg:$0x0] =	wrdreg $0x60  }
0xb4: {  	[dreg:$0x2] =	wrdreg s24  }
0xb5: {  	[dreg:$0x3] =	wrdreg s16  }
0xb6: {  	[dreg:$0x4] =	wrdreg $0x0  }
0xb7: {  	[dreg:$0x5] =	wrdreg $0x9  }
0xb8: {  	_ =	task.clear_ibuf [dreg:s7], $0x6FFFF;
	_ =	strace $0x90000049  }
0xb9: {  	s29 =	simm.s32 $0x9;
	_ =	strace $0x8000004B  }
0xba: {  	_ =	swait.ge [sflag:s29], $0x1  }
0xbb: {  	[sflag:s29] =	ssyncadd.s32 $0xFFFFFFFF  }
0xbc: {  	_ =	strace $0x9000004B  }
0xbd: {  	_ =	sfence  }
0xbe: {  	s30 =	sld [smem:$0x0];
	_ =	sdelay $0x2  }
0xbf: {  	s31 =	sshll.u32 s1, $0xD;
	s1 =	sshrl.u32 s1, $0x2  }
0xc0: {  	s3 =	sand.u32 $0x4000, s31;
	s1 =	sadd.s32 s1, s30  }
0xc1: {  	s0 =	sor.u32 s3, s0;
	s1 =	sshll.u32 s1, $0x11  }
0xc2: {  	s0 =	sor.u32 s1, s0  }
0xc3: {  	s0 =	sadd.s32 $0x8F2B, s0  }
0xc4: {  	[sflag:s0] =	ssyncadd.remote.s32 $0x1  }
0xc5: {  	_ =	sfence.sel $0xFFFF  }
0xc6: {  	[dreg:$0x0] =	wrdreg $0xFFFFFFFF;
	(pc) =	sbr.abs _section_cstart, $3  }
0xc7: {  	[dreg:$0x1] =	wrdreg $0xFFFFFFFF  }
0xc8: {  	_ =	task.clear_ibuf [dreg:s7], $0x2FFFF;
	_ =	strace $0x9FFFFFFF  }
0xc9: {  	(tm) =	ssettm $0x7FFFFFFF  }
tec
execute0_lowered:
.L_overlay_start_1:
0x0: {  	(tag) =	ssettag $0x1  }
0x1: {  	s6 =	rddreg [dreg:$0x0]  }
0x2: {  	s2 =	rddreg [dreg:$0x1];
	s0 =	srdreg.scid  }
0x3: {  	s3 =	rddreg [dreg:$0x2];
	s1 =	stileid.u32  }
0x4: {  	s4 =	simm.s32 $0x0;
	s14 =	simm.s32 $0x16740;
	s15 =	simm.s32 $0x40  }
0x5: {  	s16 =	simm.s32 $0x18E80;
	s17 =	simm.s32 $0x1;
	s18 =	simm.s32 $0x1AE80  }
0x6: {  	s19 =	simm.s32 $0x2;
	s20 =	simm.s32 $0x18E40;
	s21 =	simm.s32 $0x0  }
0x7: {  	s7 =	sand.u32 $0x1, s0;
	s0 =	rddreg [dreg:$0x3];
	s8 =	smul.u32 $0x14000, s1  }
0x8: {  	[smem:$0x7FF] =	sst s4;
	s11 =	sshll.u32 s1, $0x6;
	s5 =	sshll.u32 s7, $0x4  }
0x9: {  	s9 =	smul.u32 $0x140000, s7;
	s7 =	ssub.s32 $0x2, s7;
	s5 =	sor.u32 s1, s5  }
0xa: {  	_ =	strace $0x8000004A;
	s31 =	sshrl.u32 s7, $0x1;
	s10 =	smul.u32 $0x4E8, s5  }
0xb: {  	s13 =	sadd.s32 s8, s3;
	s5 =	sadd.s32 $0x3DA00, s6;
	s9 =	sadd.s32 s8, s9  }
0xc: {  	s12 =	ssub.s32 s7, s31;
	s9 =	sshrl.u32 s9, $0x3;
	s10 =	sadd.s32 s10, s6  }
0xd: {  	s9 =	sadd.s32 s9, s6;
	s6 =	sor.u32 $0x1C03, s11;
	s11 =	sshrl.u32 s13, $0x3  }
0xe: {  	s13 =	simm.s32 $0x14000;
	s7 =	sadd.s32 $0xBC00, s10;
	s8 =	sadd.s32 $0x1E00, s10  }
0xf: {  	s9 =	sadd.s32 $0x65A00, s9;
	s10 =	smax.u32 s12, $0x1;
	s12 =	simm.s32 $0x3  }
.LBB2_1:
0x10: {  	[spmem:s11], [sflag:s6] =	dma.local [hbm:s2], $0x2800  }
0x11: {  	_ =	swait.ge [sflag:s12], $0x2800  }
0x12: {  	[sflag:s12] =	ssyncset.done $0x0  }
0x13: {  	[sflag:s12] =	ssyncadd.s32 $0xFFFFD800  }
0x14: {  	[bflag:$0x0] =	sbarrier.arrive $0xFFFF  }
0x15: {  	[tilespmem:s13], [sflag:$0x3] =	stream.linear.gather [hbm4b:s7+s4], $0x2740, $0x38;
	[tilespmem:$0x1CE80] =	vst v63  }
0x16: {  	_ =	swait.ge [sflag:s12], $0x2740  }
0x17: {  	[sflag:s12] =	ssyncset.done $0x0  }
0x18: {  	[sflag:s12] =	ssyncadd.s32 $0xFFFFD8C0  }
0x19: {  	[tilespmem:s14], [sflag:$0x3] =	stream.linear.gather [hbm4b:s8+s4], $0x2740, $0x38;
	[tilespmem:$0x1CE80] =	vst v63  }
0x1a: {  	_ =	swait.ge [sflag:s12], $0x2740  }
0x1b: {  	[sflag:s12] =	ssyncset.done $0x0  }
0x1c: {  	[sflag:s12] =	ssyncadd.s32 $0xFFFFD8C0  }
0x1d: {  	[tilespmem:s16], [sflag:$0x1] =	stream.indirect.gather [hbm4b:s5+s15], $0x80, s13, s15, $0xb8;
	[tilespmem:$0x1CE80] =	vst v63  }
0x1e: {  	_ =	swait.ge [sflag:s17], $0x2000  }
0x1f: {  	[sflag:s17] =	ssyncset.done $0x0  }
0x20: {  	s22 =	simm.s32 $0x14040;
	[sflag:s17] =	ssyncadd.s32 $0xFFFFE000  }
0x21: {  	[tilespmem:s18], [sflag:$0x2] =	stream.indirect.gather [hbm4b:s5+s15], $0x80, s22, s15, $0xb8;
	[tilespmem:$0x1CE80] =	vst v63  }
0x22: {  	s29 =	simm.s32 $0x16740  }
0x23: {  	[spmem:s3] =	stream.indirect.scatter.add.f32 [tilespmem:s16], [sflag:$0x3], $0x80, s29, s15, $0xb8;
	[tilespmem:$0x1CE80] =	vst v63  }
0x24: {  	_ =	swait.ge [sflag:s12], $0x2000  }
0x25: {  	[sflag:s12] =	ssyncset.done $0x0  }
0x26: {  	[sflag:s12] =	ssyncadd.s32 $0xFFFFE000  }
0x27: {  	_ =	swait.ge [sflag:s19], $0x2000  }
0x28: {  	[sflag:s19] =	ssyncset.done $0x0  }
0x29: {  	s30 =	simm.s32 $0x14080;
	[sflag:s19] =	ssyncadd.s32 $0xFFFFE000  }
0x2a: {  	[tilespmem:s16], [sflag:$0x1] =	stream.indirect.gather [hbm4b:s5+s15], $0x80, s30, s15, $0xb8;
	[tilespmem:$0x1CE80] =	vst v63  }
0x2b: {  	s31 =	simm.s32 $0x16780  }
0x2c: {  	[spmem:s3] =	stream.indirect.scatter.add.f32 [tilespmem:s18], [sflag:$0x3], $0x80, s31, s15, $0xb8;
	[tilespmem:$0x1CE80] =	vst v63  }
0x2d: {  	_ =	swait.ge [sflag:s12], $0x2000  }
0x2e: {  	s22 =	simm.s32 $0x200;
	[sflag:s12] =	ssyncset.done $0x0  }
.LBB2_2:
0x2f: {  	p0 =	sne.s32 s22, $0x9A00  }
0x30: {  	[sflag:s12] =	ssyncadd.s32 $0xFFFFE000;
	s23 =	smov.u32 s22;
	s22 =	sadd.s32 $0x200, s22  }
0x31: {  	_ = 	snop  }
0x32: {  	_ =	swait.ge [sflag:s17], $0x2000  }
0x33: {  	s23 =	sshra.s32 s23, $0x2;
	[sflag:s17] =	ssyncset.done $0x0  }
0x34: {  	s24 =	sadd.s32 $0x14040, s23;
	[sflag:s17] =	ssyncadd.s32 $0xFFFFE000  }
0x35: {  	[tilespmem:s18], [sflag:$0x2] =	stream.indirect.gather [hbm4b:s5+s15], $0x80, s24, s15, $0xb8;
	[tilespmem:$0x1CE80] =	vst v63  }
0x36: {  	s24 =	sadd.s32 $0x16740, s23  }
0x37: {  	[spmem:s3] =	stream.indirect.scatter.add.f32 [tilespmem:s16], [sflag:$0x3], $0x80, s24, s15, $0xb8;
	[tilespmem:$0x1CE80] =	vst v63  }
0x38: {  	_ =	swait.ge [sflag:s12], $0x2000  }
0x39: {  	[sflag:s12] =	ssyncset.done $0x0  }
0x3a: {  	[sflag:s12] =	ssyncadd.s32 $0xFFFFE000  }
0x3b: {  	_ =	swait.ge [sflag:s19], $0x2000  }
0x3c: {  	[sflag:s19] =	ssyncset.done $0x0  }
0x3d: {  	s24 =	sadd.s32 $0x14080, s23;
	[sflag:s19] =	ssyncadd.s32 $0xFFFFE000  }
0x3e: {  	[tilespmem:s16], [sflag:$0x1] =	stream.indirect.gather [hbm4b:s5+s15], $0x80, s24, s15, $0xb8;
	[tilespmem:$0x1CE80] =	vst v63  }
.Ltmp0:
0x3f: {  	_ = 	snop;
	(pc) =	sbr.rel @p0 .LBB2_2-.Ltmp0, $4  }
0x40: {  	s23 =	sadd.s32 $0x16780, s23  }
0x41: {  	[spmem:s3] =	stream.indirect.scatter.add.f32 [tilespmem:s18], [sflag:$0x3], $0x80, s23, s15, $0xb8;
	[tilespmem:$0x1CE80] =	vst v63  }
0x42: {  	_ =	swait.ge [sflag:s12], $0x2000  }
0x43: {  	[sflag:s12] =	ssyncset.done $0x0  }
0x44: {  	[sflag:s12] =	ssyncadd.s32 $0xFFFFE000  }
0x45: {  	_ =	swait.ge [sflag:s17], $0x2000  }
0x46: {  	[sflag:s17] =	ssyncset.done $0x0  }
0x47: {  	[sflag:s17] =	ssyncadd.s32 $0xFFFFE000  }
0x48: {  	[spmem:s3] =	stream.indirect.scatter.add.f32 [tilespmem:s16], [sflag:$0x3], $0x80, s20, s15, $0xb8;
	[tilespmem:$0x1CE80] =	vst v63  }
0x49: {  	_ =	swait.ge [sflag:s12], $0x2000  }
0x4a: {  	s21 =	sadd.s32 $0x1, s21;
	[sflag:s12] =	ssyncset.done $0x0  }
0x4b: {  	p0 =	sne.s32 s21, s10;
	[sflag:s12] =	ssyncadd.s32 $0xFFFFE000  }
.Ltmp1:
0x4c: {  	[bflag:$0x0] =	sbarrier.arrive $0xFFFF;
	(pc) =	sbr.rel @p0 .LBB2_1-.Ltmp1, $4  }
0x4d: {  	[hbm:s9], [sflag:s6] =	dma.local [spmem:s11], $0x2800  }
0x4e: {  	_ =	swait.ge [sflag:s12], $0x2800  }
0x4f: {  	[sflag:s12] =	ssyncset.done $0x0  }
0x50: {  	[sflag:s12] =	ssyncadd.s32 $0xFFFFD800  }
0x51: {  	_ =	sfence.sel $0x180000  }
0x52: {  	[bflag:$0x0] =	sbarrier.arrive $0xFFFF  }
0x53: {  	p0 =	sne.s32 s1, $0x0;
	_ =	strace $0x9000004A  }
0x54: {  	s0 =	sadd.s32 @!p0 $0x100000, s0;
	[bflag:$0x2] =	sbarrier.arrive $0xFFFF  }
0x55: {  	[sflag:s0] =	ssyncadd.tile.s32 @!p0 $0x1;
	_ =	shalt  }
.Lfunc_end2:
_tile_overlayer_lowered:
.L_overlay_start_2:
0x56: {  	(tag) =	ssettag $0x2  }
0x57: {  	s0 =	rddreg [dreg:$0x0];
	s2 =	stileid.u32  }
0x58: {  	s1 =	rddreg [dreg:$0x1];
	p0 =	sne.s32 s2, $0x0  }
0x59: {  	s3 =	rddreg [dreg:$0x2];
	[bflag:$0x3] =	sbarrier.arrive $0xFFFF;
	s2 =	simm.s32 @!p0 $0x1C03  }
0x5a: {  	[timem:s3], [sflag:s2] =	dma.local @!p0 [hbm:s0], s1  }
0x5b: {  	s0 =	simm.s32 @!p0 $0x3  }
0x5c: {  	_ =	swait.ge @!p0 [sflag:s0], s1  }
0x5d: {  	s1 =	ssub.s32 @!p0 $0x0, s1;
	[sflag:s0] =	ssyncset.done @!p0 $0x0  }
0x5e: {  	[sflag:s0] =	ssyncadd.s32 @!p0 s1  }
0x5f: {  	[bflag:$0x3] =	sbarrier.arrive $0xFFFF  }
0x60: {  	_ =	shalt  }

// kernel: kernel.14.cloned.1.call-start
scs
__scs_entry_jumppad:
0x0: {  	(pc) =	sbr.rel $0x88, $3  }
0x1: {  	(tag) =	ssettag $0x0;
	lr =	simm.s32 $0x1  }
0x2: {  	[smem:$0x3F9B] =	sst lr;
	_ =	strace $0xD0000000  }
0x3: {  	_ = 	snop  }
0x4: {  	_ = 	snop  }
0x5: {  	_ = 	snop  }
0x6: {  	_ = 	snop  }
0x7: {  	_ = 	snop  }
__scs_overlays_trampoline_lowered:
0x8: {  	[smem:$0x3FAA] =	sst s0  }
0x9: {  	[smem:$0x3FAB] =	sst s1  }
0xa: {  	[smem:$0x3FAC] =	sst s2  }
0xb: {  	[smem:$0x3FAD] =	sst s3  }
0xc: {  	[smem:$0x3FAE] =	sst s4  }
0xd: {  	[smem:$0x3FAF] =	sst s5  }
0xe: {  	[smem:$0x3FB0] =	sst s6  }
0xf: {  	[smem:$0x3FB1] =	sst s7  }
0x10: {  	[smem:$0x3FB2] =	sst s8  }
0x11: {  	[smem:$0x3FB3] =	sst s9;
	s0 =	simm.s32 @!p0 $0x0  }
0x12: {  	s1 =	sld [smem:$0x3F99];
	s0 =	simm.s32 @p0 $0x1  }
0x13: {  	[smem:$0x3FB4] =	sst s0;
	s0 =	simm.s32 @!p1 $0x0  }
0x14: {  	s2 =	sld [smem:$0x3F98];
	s0 =	simm.s32 @p1 $0x1  }
0x15: {  	[smem:$0x3FB5] =	sst s0;
	s0 =	simm.s32 @!p2 $0x0  }
0x16: {  	s3 =	sld [smem:$0x3FDB];
	s0 =	simm.s32 @p2 $0x1  }
0x17: {  	s4 =	simm.s32 $0x1BF5;
	[smem:$0x3FB7] =	sst s0  }
0x18: {  	s0 =	sld [smem:$0x3F9A];
	_ =	swait.ge [sflag:s4], $0x0  }
0x19: {  	s7 =	sld [smem:$0x3F9B]  }
0x1a: {  	s8 =	sadd.s32 $0xFFFFE003, lr  }
0x1b: {  	s9 =	sadd.s32 $0xFFFFFEF7, lr;
	s5 =	simm.s32 $0xFFFFFFFF;
	p2 =	slt.u32 s8, $0xFFFFF086  }
0x1c: {  	p1 =	slt.u32 s9, $0xF7A;
	s5 =	simm.s32 @!p2 $0x0  }
0x1d: {  	s5 =	simm.s32 @p1 $0x1;
	p0 =	seq.s32 s7, s2  }
0x1e: {  	s7 =	smul.u32 @!p0 $0xF7A, s2;
	p2 =	seq.s32 @!p0 s5, $0x0  }
0x1f: {  	s9 =	smul.u32 $0xF7A, s1;
	s8 =	simm.s32 @!p0 $0x1BF5;
	p2 =	por !p2, p0  }
0x20: {  	[sflag:s8] =	ssyncset.s32 @!p0 $0xFFFFF086;
	s6 =	sadd.s32 @!p0 s3, s7;
	s7 =	simm.s32 @!p0 $0x108  }
0x21: {  	s3 =	sadd.s32 s3, s9;
	s6 =	sadd.s32 @!p0 $0x88, s6;
	s7 =	simm.s32 @p2 $0x1082  }
0x22: {  	[simem:s7], [sflag:s8] =	dma.local @!p0 [hbm:s6], $0xF7A  }
0x23: {  	s9 =	sor.u32 $0xD0000000, s2;
	s6 =	simm.s32 $0x108;
	_ =	swait.ge @!p0 [sflag:s8], $0x0  }
0x24: {  	s3 =	sadd.s32 $0x88, s3;
	s6 =	simm.s32 @!p1 $0x1082;
	[sflag:s4] =	ssyncset.s32 $0xFFFFF086  }
0x25: {  	[simem:s6], [sflag:s4] =	dma.local [hbm:s3], $0xF7A  }
0x26: {  	[smem:$0x3F9B] =	sst s1;
	(tag) =	ssettag s2;
	_ =	strace s9  }
0x27: {  	s1 =	sld [smem:$0x3FAB]  }
0x28: {  	s2 =	sld [smem:$0x3FAC]  }
0x29: {  	s4 =	sld [smem:$0x3FAE]  }
0x2a: {  	p0 =	seq.s32 s5, $0x0;
	s5 =	sld [smem:$0x3FAF]  }
0x2b: {  	s6 =	sld [smem:$0x3FB0]  }
0x2c: {  	s7 =	sld [smem:$0x3FB1]  }
0x2d: {  	s3 =	simm.s32 $0x108;
	s8 =	sld [smem:$0x3FB2]  }
0x2e: {  	s3 =	simm.s32 @!p0 $0x1082;
	s9 =	sld [smem:$0x3FB3]  }
0x2f: {  	lr =	sadd.s32 s0, s3;
	s0 =	sld [smem:$0x3FAA]  }
0x30: {  	s3 =	sld [smem:$0x3FAD]  }
0x31: {  	[smem:$0x3FB6] =	sst s10  }
0x32: {  	s10 =	sld [smem:$0x3FB4];
	_ =	sdelay $0x3  }
0x33: {  	p0 =	seq.s32 s10, $0x1;
	s10 =	sld [smem:$0x3FB6];
	_ =	sdelay $0x3  }
0x34: {  	[smem:$0x3FB6] =	sst s10  }
0x35: {  	s10 =	sld [smem:$0x3FB5];
	_ =	sdelay $0x3  }
0x36: {  	p1 =	seq.s32 s10, $0x1;
	s10 =	sld [smem:$0x3FB6];
	_ =	sdelay $0x3  }
0x37: {  	[smem:$0x3FB6] =	sst s10  }
0x38: {  	s10 =	sld [smem:$0x3FB7]  }
0x39: {  	_ = 	snop;
	(pc) =	sbr.ind lr, $3  }
0x3a: {  	_ = 	snop  }
0x3b: {  	_ = 	snop  }
0x3c: {  	p2 =	seq.s32 s10, $0x1;
	s10 =	sld [smem:$0x3FB6]  }
0x3d: {  	_ =	shalt  }
0x3e: {  	_ =	shalt  }
0x3f: {  	_ =	shalt  }
0x40: {  	_ =	shalt  }
0x41: {  	_ =	shalt  }
0x42: {  	_ =	shalt  }
0x43: {  	_ =	shalt  }
0x44: {  	_ =	shalt  }
0x45: {  	_ =	shalt  }
0x46: {  	_ =	shalt  }
0x47: {  	_ =	shalt  }
0x48: {  	_ =	shalt  }
0x49: {  	_ =	shalt  }
0x4a: {  	_ =	shalt  }
0x4b: {  	_ =	shalt  }
0x4c: {  	_ =	shalt  }
0x4d: {  	_ =	shalt  }
0x4e: {  	_ =	shalt  }
0x4f: {  	_ =	shalt  }
0x50: {  	_ =	shalt  }
0x51: {  	_ =	shalt  }
0x52: {  	_ =	shalt  }
0x53: {  	_ =	shalt  }
0x54: {  	_ =	shalt  }
0x55: {  	_ =	shalt  }
0x56: {  	_ =	shalt  }
0x57: {  	_ =	shalt  }
0x58: {  	_ =	shalt  }
0x59: {  	_ =	shalt  }
0x5a: {  	_ =	shalt  }
0x5b: {  	_ =	shalt  }
0x5c: {  	_ =	shalt  }
0x5d: {  	_ =	shalt  }
0x5e: {  	_ =	shalt  }
0x5f: {  	_ =	shalt  }
0x60: {  	_ =	shalt  }
0x61: {  	_ =	shalt  }
0x62: {  	_ =	shalt  }
0x63: {  	_ =	shalt  }
0x64: {  	_ =	shalt  }
0x65: {  	_ =	shalt  }
0x66: {  	_ =	shalt  }
0x67: {  	_ =	shalt  }
0x68: {  	_ =	shalt  }
0x69: {  	_ =	shalt  }
0x6a: {  	_ =	shalt  }
0x6b: {  	_ =	shalt  }
0x6c: {  	_ =	shalt  }
0x6d: {  	_ =	shalt  }
0x6e: {  	_ =	shalt  }
0x6f: {  	_ =	shalt  }
0x70: {  	_ =	shalt  }
0x71: {  	_ =	shalt  }
0x72: {  	_ =	shalt  }
0x73: {  	_ =	shalt  }
0x74: {  	_ =	shalt  }
0x75: {  	_ =	shalt  }
0x76: {  	_ =	shalt  }
0x77: {  	_ =	shalt  }
0x78: {  	_ =	shalt  }
0x79: {  	_ =	shalt  }
0x7a: {  	_ =	shalt  }
0x7b: {  	_ =	shalt  }
0x7c: {  	_ =	shalt  }
0x7d: {  	_ =	shalt  }
0x7e: {  	_ =	shalt  }
0x7f: {  	_ =	shalt  }
0x80: {  	_ =	shalt  }
0x81: {  	_ =	shalt  }
0x82: {  	_ =	shalt  }
0x83: {  	_ =	shalt  }
0x84: {  	_ =	shalt  }
0x85: {  	_ =	shalt  }
0x86: {  	_ =	shalt  }
0x87: {  	_ =	shalt  }
.Lfunc_end0:
.L_simem_size_0:
called_computation.2_lowered:
.L_overlay_start_0:
0x88: {  	s2 =	sld [smem:$0x3FD9]  }
0x89: {  	s3 =	sld [smem:$0x3FFE];
	_ =	sdelay $0x1  }
0x8a: {  	s1 =	srdreg.scid  }
0x8b: {  	s0 =	sand.u32 $0x1, s1  }
0x8c: {  	s14 =	sshll.u32 s0, $0xA;
	s2 =	sadd.s32 s3, s2  }
0x8d: {  	s2 =	sadd.s32 s2, s14  }
0x8e: {  	[smem:$0x3FC2] =	sst s2  }
0x8f: {  	_ = 	snop  }
0x90: {  	s2 =	sld [smem:$0x3FD0];
	_ =	sdelay $0x2  }
0x91: {  	s15 =	simm.s32 $0xA;
	s4 =	simm.s32 $0x10  }
0x92: {  	[smem:s4], [sflag:s15] =	dma.local [hbm:s2], $0x1  }
0x93: {  	_ =	swait.eq [sflag:s15], $0x1  }
0x94: {  	[sflag:s15] =	ssyncset.done $0x0  }
0x95: {  	[sflag:s15] =	ssyncadd.s32 $0xFFFFFFFF  }
0x96: {  	s16 =	sld [smem:$0x11];
	(tm) =	ssettm $0x1  }
0x97: {  	s17 =	sld [smem:$0x3FFB];
	_ =	sdelay $0x3  }
0x98: {  	_ =	strace s17  }
0x99: {  	s3 =	sld [smem:$0x3FFC];
	_ =	sdelay $0x3  }
0x9a: {  	_ =	strace s3  }
0x9b: {  	s3 =	sld [smem:$0x3FFD];
	_ =	sdelay $0x3  }
0x9c: {  	_ =	strace s3  }
0x9d: {  	_ =	strace $0x8FFFFFFF  }
0x9e: {  	s18 =	sld [smem:$0x3FDB];
	_ =	sdelay $0x1  }
0x9f: {  	s19 =	simm.s32 $_scs_section_size  }
0xa0: {  	s5 =	simm.s32 $_size__tile_overlayer_lowered;
	s6 =	simm.s32 $_tile_overlayer_lowered  }
0xa1: {  	s22 =	simm.s32 $0x1BFF;
	s21 =	sshll.u32 s6, $0x1;
	s3 =	sadd.s32 s19, s18  }
0xa2: {  	s7 =	simm.s32 $0x0;
	s20 =	sshll.u32 s5, $0x1;
	s5 =	sadd.s32 s21, s3  }
0xa3: {  	[timem:s7], [sflag:s22] =	dma.local [hbm:s5], s20  }
0xa4: {  	_ =	swait.ge [sflag:s22], s20  }
0xa5: {  	s4 =	ssub.s32 $0x0, s20;
	[sflag:s22] =	ssyncset.done $0x0  }
0xa6: {  	[sflag:s22] =	ssyncadd.s32 s4;
	_ =	sdelay $0x1  }
0xa7: {  	s23 =	simm.s32 $0x1B8B  }
0xa8: {  	_ =	swait.ge [sflag:s23], $0x1  }
0xa9: {  	[sflag:s23] =	ssyncset.done $0x0  }
0xaa: {  	s25 =	simm.s32 $0x1B8E;
	s24 =	sld [smem:$0x3FFE];
	[sflag:s23] =	ssyncadd.s32 $0xFFFFFFFF  }
0xab: {  	s26 =	simm.s32 $execute0_lowered;
	[smem:$0x3FD2] =	sst s25  }
0xac: {  	s5 =	sshll.u32 s26, $0x1;
	_ =	strace $0x8000004C;
	[dreg:$0x1] =	wrdreg $0xFFFFFFFF  }
0xad: {  	s28 =	simm.s32 $_size_execute0_lowered;
	s3 =	sadd.s32 s3, s5;
	[dreg:$0x0] =	wrdreg $0x0  }
0xae: {  	s5 =	sshll.u32 s28, $0x1;
	[dreg:$0x2] =	wrdreg s3  }
0xaf: {  	[dreg:$0x3] =	wrdreg s5  }
0xb0: {  	[dreg:$0x4] =	wrdreg $0xC0  }
0xb1: {  	_ =	task [dreg:s7], $0x5FFFF  }
0xb2: {  	[dreg:$0x1] =	wrdreg $0xFFFFFFFF  }
0xb3: {  	[dreg:$0x0] =	wrdreg $0x60  }
0xb4: {  	[dreg:$0x2] =	wrdreg s24  }
0xb5: {  	[dreg:$0x3] =	wrdreg s16  }
0xb6: {  	[dreg:$0x4] =	wrdreg $0x0  }
0xb7: {  	[dreg:$0x5] =	wrdreg $0x9  }
0xb8: {  	_ =	task.clear_ibuf [dreg:s7], $0x6FFFF;
	_ =	strace $0x9000004C  }
0xb9: {  	s29 =	simm.s32 $0x9;
	_ =	strace $0x8000004E  }
0xba: {  	_ =	swait.ge [sflag:s29], $0x1  }
0xbb: {  	[sflag:s29] =	ssyncadd.s32 $0xFFFFFFFF  }
0xbc: {  	_ =	strace $0x9000004E  }
0xbd: {  	_ =	sfence  }
0xbe: {  	s30 =	sld [smem:$0x0];
	_ =	sdelay $0x2  }
0xbf: {  	s31 =	sshll.u32 s1, $0xD;
	s1 =	sshrl.u32 s1, $0x2  }
0xc0: {  	s3 =	sand.u32 $0x4000, s31;
	s1 =	sadd.s32 s1, s30  }
0xc1: {  	s0 =	sor.u32 s3, s0;
	s1 =	sshll.u32 s1, $0x11  }
0xc2: {  	s0 =	sor.u32 s1, s0  }
0xc3: {  	s0 =	sadd.s32 $0x8F2B, s0  }
0xc4: {  	[sflag:s0] =	ssyncadd.remote.s32 $0x1  }
0xc5: {  	_ =	sfence.sel $0xFFFF  }
0xc6: {  	[dreg:$0x0] =	wrdreg $0xFFFFFFFF;
	(pc) =	sbr.abs _section_cstart, $3  }
0xc7: {  	[dreg:$0x1] =	wrdreg $0xFFFFFFFF  }
0xc8: {  	_ =	task.clear_ibuf [dreg:s7], $0x2FFFF;
	_ =	strace $0x9FFFFFFF  }
0xc9: {  	(tm) =	ssettm $0x7FFFFFFF  }
tec
execute0_lowered:
.L_overlay_start_1:
0x0: {  	(tag) =	ssettag $0x1  }
0x1: {  	s6 =	rddreg [dreg:$0x0]  }
0x2: {  	s2 =	rddreg [dreg:$0x1];
	s0 =	srdreg.scid  }
0x3: {  	s3 =	rddreg [dreg:$0x2];
	s1 =	stileid.u32  }
0x4: {  	s4 =	simm.s32 $0x0;
	s14 =	simm.s32 $0xC740;
	s15 =	simm.s32 $0x40  }
0x5: {  	s16 =	simm.s32 $0xEE80;
	s17 =	simm.s32 $0x1;
	s18 =	simm.s32 $0xFE80  }
0x6: {  	s19 =	simm.s32 $0x2;
	s20 =	simm.s32 $0xEE40;
	s21 =	simm.s32 $0x0  }
0x7: {  	s7 =	sand.u32 $0x1, s0;
	s0 =	rddreg [dreg:$0x3];
	s8 =	smul.u32 $0xA000, s1  }
0x8: {  	[smem:$0x7FF] =	sst s4;
	s11 =	sshll.u32 s1, $0x6;
	s5 =	sshll.u32 s7, $0x4  }
0x9: {  	s9 =	smul.u32 $0xA0000, s7;
	s7 =	ssub.s32 $0x2, s7;
	s5 =	sor.u32 s1, s5  }
0xa: {  	_ =	strace $0x8000004D;
	s31 =	sshrl.u32 s7, $0x1;
	s10 =	smul.u32 $0x4E8, s5  }
0xb: {  	s13 =	sadd.s32 s8, s3;
	s5 =	sadd.s32 $0x3DA00, s6;
	s9 =	sadd.s32 s8, s9  }
0xc: {  	s12 =	ssub.s32 s7, s31;
	s9 =	sshrl.u32 s9, $0x3;
	s10 =	sadd.s32 s10, s6  }
0xd: {  	s9 =	sadd.s32 s9, s6;
	s6 =	sor.u32 $0x1C03, s11;
	s11 =	sshrl.u32 s13, $0x3  }
0xe: {  	s13 =	simm.s32 $0xA000;
	s7 =	sadd.s32 $0xBC00, s10;
	s8 =	sadd.s32 $0x1E00, s10  }
0xf: {  	s9 =	sadd.s32 $0x51A00, s9;
	s10 =	smax.u32 s12, $0x1;
	s12 =	simm.s32 $0x3  }
.LBB2_1:
0x10: {  	[spmem:s11], [sflag:s6] =	dma.local [hbm:s2], $0x1400  }
0x11: {  	_ =	swait.ge [sflag:s12], $0x1400  }
0x12: {  	[sflag:s12] =	ssyncset.done $0x0  }
0x13: {  	[sflag:s12] =	ssyncadd.s32 $0xFFFFEC00  }
0x14: {  	[bflag:$0x0] =	sbarrier.arrive $0xFFFF  }
0x15: {  	[tilespmem:s13], [sflag:$0x3] =	stream.linear.gather [hbm4b:s7+s4], $0x2740, $0x38;
	[tilespmem:$0x10E80] =	vst v63  }
0x16: {  	_ =	swait.ge [sflag:s12], $0x2740  }
0x17: {  	[sflag:s12] =	ssyncset.done $0x0  }
0x18: {  	[sflag:s12] =	ssyncadd.s32 $0xFFFFD8C0  }
0x19: {  	[tilespmem:s14], [sflag:$0x3] =	stream.linear.gather [hbm4b:s8+s4], $0x2740, $0x38;
	[tilespmem:$0x10E80] =	vst v63  }
0x1a: {  	_ =	swait.ge [sflag:s12], $0x2740  }
0x1b: {  	[sflag:s12] =	ssyncset.done $0x0  }
0x1c: {  	[sflag:s12] =	ssyncadd.s32 $0xFFFFD8C0  }
0x1d: {  	[tilespmem:s16], [sflag:$0x1] =	stream.indirect.gather [hbm4b:s5+s15], $0x40, s13, s15, $0xb8;
	[tilespmem:$0x10E80] =	vst v63  }
0x1e: {  	_ =	swait.ge [sflag:s17], $0x1000  }
0x1f: {  	[sflag:s17] =	ssyncset.done $0x0  }
0x20: {  	s22 =	simm.s32 $0xA040;
	[sflag:s17] =	ssyncadd.s32 $0xFFFFF000  }
0x21: {  	[tilespmem:s18], [sflag:$0x2] =	stream.indirect.gather [hbm4b:s5+s15], $0x40, s22, s15, $0xb8;
	[tilespmem:$0x10E80] =	vst v63  }
0x22: {  	s29 =	simm.s32 $0xC740  }
0x23: {  	[spmem:s3] =	stream.indirect.scatter.add.f32 [tilespmem:s16], [sflag:$0x3], $0x40, s29, s15, $0xb8;
	[tilespmem:$0x10E80] =	vst v63  }
0x24: {  	_ =	swait.ge [sflag:s12], $0x1000  }
0x25: {  	[sflag:s12] =	ssyncset.done $0x0  }
0x26: {  	[sflag:s12] =	ssyncadd.s32 $0xFFFFF000  }
0x27: {  	_ =	swait.ge [sflag:s19], $0x1000  }
0x28: {  	[sflag:s19] =	ssyncset.done $0x0  }
0x29: {  	s30 =	simm.s32 $0xA080;
	[sflag:s19] =	ssyncadd.s32 $0xFFFFF000  }
0x2a: {  	[tilespmem:s16], [sflag:$0x1] =	stream.indirect.gather [hbm4b:s5+s15], $0x40, s30, s15, $0xb8;
	[tilespmem:$0x10E80] =	vst v63  }
0x2b: {  	s31 =	simm.s32 $0xC780  }
0x2c: {  	[spmem:s3] =	stream.indirect.scatter.add.f32 [tilespmem:s18], [sflag:$0x3], $0x40, s31, s15, $0xb8;
	[tilespmem:$0x10E80] =	vst v63  }
0x2d: {  	_ =	swait.ge [sflag:s12], $0x1000  }
0x2e: {  	s22 =	simm.s32 $0x200;
	[sflag:s12] =	ssyncset.done $0x0  }
.LBB2_2:
0x2f: {  	p0 =	sne.s32 s22, $0x9A00  }
0x30: {  	[sflag:s12] =	ssyncadd.s32 $0xFFFFF000;
	s23 =	smov.u32 s22;
	s22 =	sadd.s32 $0x200, s22  }
0x31: {  	_ = 	snop  }
0x32: {  	_ =	swait.ge [sflag:s17], $0x1000  }
0x33: {  	s23 =	sshra.s32 s23, $0x2;
	[sflag:s17] =	ssyncset.done $0x0  }
0x34: {  	s24 =	sadd.s32 $0xA040, s23;
	[sflag:s17] =	ssyncadd.s32 $0xFFFFF000  }
0x35: {  	[tilespmem:s18], [sflag:$0x2] =	stream.indirect.gather [hbm4b:s5+s15], $0x40, s24, s15, $0xb8;
	[tilespmem:$0x10E80] =	vst v63  }
0x36: {  	s24 =	sadd.s32 $0xC740, s23  }
0x37: {  	[spmem:s3] =	stream.indirect.scatter.add.f32 [tilespmem:s16], [sflag:$0x3], $0x40, s24, s15, $0xb8;
	[tilespmem:$0x10E80] =	vst v63  }
0x38: {  	_ =	swait.ge [sflag:s12], $0x1000  }
0x39: {  	[sflag:s12] =	ssyncset.done $0x0  }
0x3a: {  	[sflag:s12] =	ssyncadd.s32 $0xFFFFF000  }
0x3b: {  	_ =	swait.ge [sflag:s19], $0x1000  }
0x3c: {  	[sflag:s19] =	ssyncset.done $0x0  }
0x3d: {  	s24 =	sadd.s32 $0xA080, s23;
	[sflag:s19] =	ssyncadd.s32 $0xFFFFF000  }
0x3e: {  	[tilespmem:s16], [sflag:$0x1] =	stream.indirect.gather [hbm4b:s5+s15], $0x40, s24, s15, $0xb8;
	[tilespmem:$0x10E80] =	vst v63  }
.Ltmp0:
0x3f: {  	_ = 	snop;
	(pc) =	sbr.rel @p0 .LBB2_2-.Ltmp0, $4  }
0x40: {  	s23 =	sadd.s32 $0xC780, s23  }
0x41: {  	[spmem:s3] =	stream.indirect.scatter.add.f32 [tilespmem:s18], [sflag:$0x3], $0x40, s23, s15, $0xb8;
	[tilespmem:$0x10E80] =	vst v63  }
0x42: {  	_ =	swait.ge [sflag:s12], $0x1000  }
0x43: {  	[sflag:s12] =	ssyncset.done $0x0  }
0x44: {  	[sflag:s12] =	ssyncadd.s32 $0xFFFFF000  }
0x45: {  	_ =	swait.ge [sflag:s17], $0x1000  }
0x46: {  	[sflag:s17] =	ssyncset.done $0x0  }
0x47: {  	[sflag:s17] =	ssyncadd.s32 $0xFFFFF000  }
0x48: {  	[spmem:s3] =	stream.indirect.scatter.add.f32 [tilespmem:s16], [sflag:$0x3], $0x40, s20, s15, $0xb8;
	[tilespmem:$0x10E80] =	vst v63  }
0x49: {  	_ =	swait.ge [sflag:s12], $0x1000  }
0x4a: {  	s21 =	sadd.s32 $0x1, s21;
	[sflag:s12] =	ssyncset.done $0x0  }
0x4b: {  	p0 =	sne.s32 s21, s10;
	[sflag:s12] =	ssyncadd.s32 $0xFFFFF000  }
.Ltmp1:
0x4c: {  	[bflag:$0x0] =	sbarrier.arrive $0xFFFF;
	(pc) =	sbr.rel @p0 .LBB2_1-.Ltmp1, $4  }
0x4d: {  	[hbm:s9], [sflag:s6] =	dma.local [spmem:s11], $0x1400  }
0x4e: {  	_ =	swait.ge [sflag:s12], $0x1400  }
0x4f: {  	[sflag:s12] =	ssyncset.done $0x0  }
0x50: {  	[sflag:s12] =	ssyncadd.s32 $0xFFFFEC00  }
0x51: {  	_ =	sfence.sel $0x180000  }
0x52: {  	[bflag:$0x0] =	sbarrier.arrive $0xFFFF  }
0x53: {  	p0 =	sne.s32 s1, $0x0;
	_ =	strace $0x9000004D  }
0x54: {  	s0 =	sadd.s32 @!p0 $0x100000, s0;
	[bflag:$0x2] =	sbarrier.arrive $0xFFFF  }
0x55: {  	[sflag:s0] =	ssyncadd.tile.s32 @!p0 $0x1;
	_ =	shalt  }
.Lfunc_end2:
_tile_overlayer_lowered:
.L_overlay_start_2:
0x56: {  	(tag) =	ssettag $0x2  }
0x57: {  	s0 =	rddreg [dreg:$0x0];
	s2 =	stileid.u32  }
0x58: {  	s1 =	rddreg [dreg:$0x1];
	p0 =	sne.s32 s2, $0x0  }
0x59: {  	s3 =	rddreg [dreg:$0x2];
	[bflag:$0x3] =	sbarrier.arrive $0xFFFF;
	s2 =	simm.s32 @!p0 $0x1C03  }
0x5a: {  	[timem:s3], [sflag:s2] =	dma.local @!p0 [hbm:s0], s1  }
0x5b: {  	s0 =	simm.s32 @!p0 $0x3  }
0x5c: {  	_ =	swait.ge @!p0 [sflag:s0], s1  }
0x5d: {  	s1 =	ssub.s32 @!p0 $0x0, s1;
	[sflag:s0] =	ssyncset.done @!p0 $0x0  }
0x5e: {  	[sflag:s0] =	ssyncadd.s32 @!p0 s1  }
0x5f: {  	[bflag:$0x3] =	sbarrier.arrive $0xFFFF  }
0x60: {  	_ =	shalt  }

// kernel: kernel.8.cloned.1.call-start
scs
__scs_entry_jumppad:
0x0: {  	(pc) =	sbr.rel $0x88, $3  }
0x1: {  	(tag) =	ssettag $0x0;
	lr =	simm.s32 $0x1  }
0x2: {  	[smem:$0x3F9B] =	sst lr;
	_ =	strace $0xD0000000  }
0x3: {  	_ = 	snop  }
0x4: {  	_ = 	snop  }
0x5: {  	_ = 	snop  }
0x6: {  	_ = 	snop  }
0x7: {  	_ = 	snop  }
__scs_overlays_trampoline_lowered:
0x8: {  	[smem:$0x3FAA] =	sst s0  }
0x9: {  	[smem:$0x3FAB] =	sst s1  }
0xa: {  	[smem:$0x3FAC] =	sst s2  }
0xb: {  	[smem:$0x3FAD] =	sst s3  }
0xc: {  	[smem:$0x3FAE] =	sst s4  }
0xd: {  	[smem:$0x3FAF] =	sst s5  }
0xe: {  	[smem:$0x3FB0] =	sst s6  }
0xf: {  	[smem:$0x3FB1] =	sst s7  }
0x10: {  	[smem:$0x3FB2] =	sst s8  }
0x11: {  	[smem:$0x3FB3] =	sst s9;
	s0 =	simm.s32 @!p0 $0x0  }
0x12: {  	s1 =	sld [smem:$0x3F99];
	s0 =	simm.s32 @p0 $0x1  }
0x13: {  	[smem:$0x3FB4] =	sst s0;
	s0 =	simm.s32 @!p1 $0x0  }
0x14: {  	s2 =	sld [smem:$0x3F98];
	s0 =	simm.s32 @p1 $0x1  }
0x15: {  	[smem:$0x3FB5] =	sst s0;
	s0 =	simm.s32 @!p2 $0x0  }
0x16: {  	s3 =	sld [smem:$0x3FDB];
	s0 =	simm.s32 @p2 $0x1  }
0x17: {  	s4 =	simm.s32 $0x1BF5;
	[smem:$0x3FB7] =	sst s0  }
0x18: {  	s0 =	sld [smem:$0x3F9A];
	_ =	swait.ge [sflag:s4], $0x0  }
0x19: {  	s7 =	sld [smem:$0x3F9B]  }
0x1a: {  	s8 =	sadd.s32 $0xFFFFE003, lr  }
0x1b: {  	s9 =	sadd.s32 $0xFFFFFEF7, lr;
	s5 =	simm.s32 $0xFFFFFFFF;
	p2 =	slt.u32 s8, $0xFFFFF086  }
0x1c: {  	p1 =	slt.u32 s9, $0xF7A;
	s5 =	simm.s32 @!p2 $0x0  }
0x1d: {  	s5 =	simm.s32 @p1 $0x1;
	p0 =	seq.s32 s7, s2  }
0x1e: {  	s7 =	smul.u32 @!p0 $0xF7A, s2;
	p2 =	seq.s32 @!p0 s5, $0x0  }
0x1f: {  	s9 =	smul.u32 $0xF7A, s1;
	s8 =	simm.s32 @!p0 $0x1BF5;
	p2 =	por !p2, p0  }
0x20: {  	[sflag:s8] =	ssyncset.s32 @!p0 $0xFFFFF086;
	s6 =	sadd.s32 @!p0 s3, s7;
	s7 =	simm.s32 @!p0 $0x108  }
0x21: {  	s3 =	sadd.s32 s3, s9;
	s6 =	sadd.s32 @!p0 $0x88, s6;
	s7 =	simm.s32 @p2 $0x1082  }
0x22: {  	[simem:s7], [sflag:s8] =	dma.local @!p0 [hbm:s6], $0xF7A  }
0x23: {  	s9 =	sor.u32 $0xD0000000, s2;
	s6 =	simm.s32 $0x108;
	_ =	swait.ge @!p0 [sflag:s8], $0x0  }
0x24: {  	s3 =	sadd.s32 $0x88, s3;
	s6 =	simm.s32 @!p1 $0x1082;
	[sflag:s4] =	ssyncset.s32 $0xFFFFF086  }
0x25: {  	[simem:s6], [sflag:s4] =	dma.local [hbm:s3], $0xF7A  }
0x26: {  	[smem:$0x3F9B] =	sst s1;
	(tag) =	ssettag s2;
	_ =	strace s9  }
0x27: {  	s1 =	sld [smem:$0x3FAB]  }
0x28: {  	s2 =	sld [smem:$0x3FAC]  }
0x29: {  	s4 =	sld [smem:$0x3FAE]  }
0x2a: {  	p0 =	seq.s32 s5, $0x0;
	s5 =	sld [smem:$0x3FAF]  }
0x2b: {  	s6 =	sld [smem:$0x3FB0]  }
0x2c: {  	s7 =	sld [smem:$0x3FB1]  }
0x2d: {  	s3 =	simm.s32 $0x108;
	s8 =	sld [smem:$0x3FB2]  }
0x2e: {  	s3 =	simm.s32 @!p0 $0x1082;
	s9 =	sld [smem:$0x3FB3]  }
0x2f: {  	lr =	sadd.s32 s0, s3;
	s0 =	sld [smem:$0x3FAA]  }
0x30: {  	s3 =	sld [smem:$0x3FAD]  }
0x31: {  	[smem:$0x3FB6] =	sst s10  }
0x32: {  	s10 =	sld [smem:$0x3FB4];
	_ =	sdelay $0x3  }
0x33: {  	p0 =	seq.s32 s10, $0x1;
	s10 =	sld [smem:$0x3FB6];
	_ =	sdelay $0x3  }
0x34: {  	[smem:$0x3FB6] =	sst s10  }
0x35: {  	s10 =	sld [smem:$0x3FB5];
	_ =	sdelay $0x3  }
0x36: {  	p1 =	seq.s32 s10, $0x1;
	s10 =	sld [smem:$0x3FB6];
	_ =	sdelay $0x3  }
0x37: {  	[smem:$0x3FB6] =	sst s10  }
0x38: {  	s10 =	sld [smem:$0x3FB7]  }
0x39: {  	_ = 	snop;
	(pc) =	sbr.ind lr, $3  }
0x3a: {  	_ = 	snop  }
0x3b: {  	_ = 	snop  }
0x3c: {  	p2 =	seq.s32 s10, $0x1;
	s10 =	sld [smem:$0x3FB6]  }
0x3d: {  	_ =	shalt  }
0x3e: {  	_ =	shalt  }
0x3f: {  	_ =	shalt  }
0x40: {  	_ =	shalt  }
0x41: {  	_ =	shalt  }
0x42: {  	_ =	shalt  }
0x43: {  	_ =	shalt  }
0x44: {  	_ =	shalt  }
0x45: {  	_ =	shalt  }
0x46: {  	_ =	shalt  }
0x47: {  	_ =	shalt  }
0x48: {  	_ =	shalt  }
0x49: {  	_ =	shalt  }
0x4a: {  	_ =	shalt  }
0x4b: {  	_ =	shalt  }
0x4c: {  	_ =	shalt  }
0x4d: {  	_ =	shalt  }
0x4e: {  	_ =	shalt  }
0x4f: {  	_ =	shalt  }
0x50: {  	_ =	shalt  }
0x51: {  	_ =	shalt  }
0x52: {  	_ =	shalt  }
0x53: {  	_ =	shalt  }
0x54: {  	_ =	shalt  }
0x55: {  	_ =	shalt  }
0x56: {  	_ =	shalt  }
0x57: {  	_ =	shalt  }
0x58: {  	_ =	shalt  }
0x59: {  	_ =	shalt  }
0x5a: {  	_ =	shalt  }
0x5b: {  	_ =	shalt  }
0x5c: {  	_ =	shalt  }
0x5d: {  	_ =	shalt  }
0x5e: {  	_ =	shalt  }
0x5f: {  	_ =	shalt  }
0x60: {  	_ =	shalt  }
0x61: {  	_ =	shalt  }
0x62: {  	_ =	shalt  }
0x63: {  	_ =	shalt  }
0x64: {  	_ =	shalt  }
0x65: {  	_ =	shalt  }
0x66: {  	_ =	shalt  }
0x67: {  	_ =	shalt  }
0x68: {  	_ =	shalt  }
0x69: {  	_ =	shalt  }
0x6a: {  	_ =	shalt  }
0x6b: {  	_ =	shalt  }
0x6c: {  	_ =	shalt  }
0x6d: {  	_ =	shalt  }
0x6e: {  	_ =	shalt  }
0x6f: {  	_ =	shalt  }
0x70: {  	_ =	shalt  }
0x71: {  	_ =	shalt  }
0x72: {  	_ =	shalt  }
0x73: {  	_ =	shalt  }
0x74: {  	_ =	shalt  }
0x75: {  	_ =	shalt  }
0x76: {  	_ =	shalt  }
0x77: {  	_ =	shalt  }
0x78: {  	_ =	shalt  }
0x79: {  	_ =	shalt  }
0x7a: {  	_ =	shalt  }
0x7b: {  	_ =	shalt  }
0x7c: {  	_ =	shalt  }
0x7d: {  	_ =	shalt  }
0x7e: {  	_ =	shalt  }
0x7f: {  	_ =	shalt  }
0x80: {  	_ =	shalt  }
0x81: {  	_ =	shalt  }
0x82: {  	_ =	shalt  }
0x83: {  	_ =	shalt  }
0x84: {  	_ =	shalt  }
0x85: {  	_ =	shalt  }
0x86: {  	_ =	shalt  }
0x87: {  	_ =	shalt  }
.Lfunc_end0:
.L_simem_size_0:
called_computation_lowered:
.L_overlay_start_0:
0x88: {  	s2 =	sld [smem:$0x3FD9]  }
0x89: {  	s3 =	sld [smem:$0x3FFE];
	_ =	sdelay $0x1  }
0x8a: {  	s1 =	srdreg.scid  }
0x8b: {  	s0 =	sand.u32 $0x1, s1  }
0x8c: {  	s14 =	sshll.u32 s0, $0xA;
	s2 =	sadd.s32 s3, s2  }
0x8d: {  	s2 =	sadd.s32 s2, s14  }
0x8e: {  	[smem:$0x3FC2] =	sst s2  }
0x8f: {  	_ = 	snop  }
0x90: {  	s2 =	sld [smem:$0x3FD0];
	_ =	sdelay $0x2  }
0x91: {  	s15 =	simm.s32 $0xA;
	s4 =	simm.s32 $0x10  }
0x92: {  	[smem:s4], [sflag:s15] =	dma.local [hbm:s2], $0x1  }
0x93: {  	_ =	swait.eq [sflag:s15], $0x1  }
0x94: {  	[sflag:s15] =	ssyncset.done $0x0  }
0x95: {  	s16 =	sld [smem:$0x10];
	[sflag:s15] =	ssyncadd.s32 $0xFFFFFFFF  }
0x96: {  	s17 =	sld [smem:$0x11];
	(tm) =	ssettm $0x1  }
0x97: {  	s18 =	sld [smem:$0x3FFB];
	_ =	sdelay $0x3  }
0x98: {  	_ =	strace s18  }
0x99: {  	s4 =	sld [smem:$0x3FFC];
	_ =	sdelay $0x3  }
0x9a: {  	_ =	strace s4  }
0x9b: {  	s4 =	sld [smem:$0x3FFD];
	_ =	sdelay $0x3  }
0x9c: {  	_ =	strace s4  }
0x9d: {  	_ =	strace $0x8FFFFFFF  }
0x9e: {  	s19 =	sld [smem:$0x3FDB];
	_ =	sdelay $0x1  }
0x9f: {  	s5 =	simm.s32 $_scs_section_size  }
0xa0: {  	s6 =	simm.s32 $_size__tile_overlayer_lowered;
	s7 =	simm.s32 $_tile_overlayer_lowered  }
0xa1: {  	s22 =	simm.s32 $0x1BFF;
	s21 =	sshll.u32 s7, $0x1;
	s4 =	sadd.s32 s5, s19  }
0xa2: {  	s8 =	simm.s32 $0x0;
	s20 =	sshll.u32 s6, $0x1;
	s6 =	sadd.s32 s21, s4  }
0xa3: {  	[timem:s8], [sflag:s22] =	dma.local [hbm:s6], s20  }
0xa4: {  	_ =	swait.ge [sflag:s22], s20  }
0xa5: {  	s5 =	ssub.s32 $0x0, s20;
	[sflag:s22] =	ssyncset.done $0x0  }
0xa6: {  	[sflag:s22] =	ssyncadd.s32 s5;
	_ =	sdelay $0x1  }
0xa7: {  	s23 =	simm.s32 $0x1B8B  }
0xa8: {  	_ =	swait.ge [sflag:s23], $0x1  }
0xa9: {  	[sflag:s23] =	ssyncset.done $0x0  }
0xaa: {  	s25 =	simm.s32 $0x1B8E;
	s24 =	sld [smem:$0x3FFE];
	[sflag:s23] =	ssyncadd.s32 $0xFFFFFFFF  }
0xab: {  	s26 =	simm.s32 $execute0_lowered;
	[smem:$0x3FD2] =	sst s25  }
0xac: {  	s6 =	sshll.u32 s26, $0x1;
	_ =	strace $0x80000046;
	[dreg:$0x1] =	wrdreg $0xFFFFFFFF  }
0xad: {  	s28 =	simm.s32 $_size_execute0_lowered;
	s4 =	sadd.s32 s4, s6;
	[dreg:$0x0] =	wrdreg $0x0  }
0xae: {  	s6 =	sshll.u32 s28, $0x1;
	[dreg:$0x2] =	wrdreg s4  }
0xaf: {  	[dreg:$0x3] =	wrdreg s6  }
0xb0: {  	[dreg:$0x4] =	wrdreg $0xC0  }
0xb1: {  	_ =	task [dreg:s8], $0x5FFFF  }
0xb2: {  	[dreg:$0x1] =	wrdreg $0xFFFFFFFF  }
0xb3: {  	[dreg:$0x0] =	wrdreg $0x60  }
0xb4: {  	[dreg:$0x2] =	wrdreg s24  }
0xb5: {  	[dreg:$0x3] =	wrdreg s16  }
0xb6: {  	[dreg:$0x4] =	wrdreg s17  }
0xb7: {  	[dreg:$0x5] =	wrdreg $0x0  }
0xb8: {  	[dreg:$0x6] =	wrdreg $0x9  }
0xb9: {  	_ =	task.clear_ibuf [dreg:s8], $0x7FFFF;
	_ =	strace $0x90000046  }
0xba: {  	s29 =	simm.s32 $0x9;
	_ =	strace $0x80000048  }
0xbb: {  	_ =	swait.ge [sflag:s29], $0x1  }
0xbc: {  	[sflag:s29] =	ssyncadd.s32 $0xFFFFFFFF  }
0xbd: {  	_ =	strace $0x90000048  }
0xbe: {  	_ =	sfence  }
0xbf: {  	s30 =	sld [smem:$0x0];
	_ =	sdelay $0x2  }
0xc0: {  	s31 =	sshll.u32 s1, $0xD;
	s1 =	sshrl.u32 s1, $0x2  }
0xc1: {  	s3 =	sand.u32 $0x4000, s31;
	s1 =	sadd.s32 s1, s30  }
0xc2: {  	s0 =	sor.u32 s3, s0;
	s1 =	sshll.u32 s1, $0x11  }
0xc3: {  	s0 =	sor.u32 s1, s0  }
0xc4: {  	s0 =	sadd.s32 $0x8F2B, s0  }
0xc5: {  	[sflag:s0] =	ssyncadd.remote.s32 $0x1  }
0xc6: {  	_ =	sfence.sel $0xFFFF  }
0xc7: {  	[dreg:$0x0] =	wrdreg $0xFFFFFFFF;
	(pc) =	sbr.abs _section_cstart, $3  }
0xc8: {  	[dreg:$0x1] =	wrdreg $0xFFFFFFFF  }
0xc9: {  	_ =	task.clear_ibuf [dreg:s8], $0x2FFFF;
	_ =	strace $0x9FFFFFFF  }
0xca: {  	(tm) =	ssettm $0x7FFFFFFF  }
0xcb: {  	_ =	shalt  }
tec
execute0_lowered:
.L_overlay_start_1:
0x0: {  	(tag) =	ssettag $0x1  }
0x1: {  	s5 =	rddreg [dreg:$0x0]  }
0x2: {  	s1 =	rddreg [dreg:$0x1]  }
0x3: {  	s0 =	srdreg.scid;
	s7 =	rddreg [dreg:$0x2]  }
0x4: {  	s3 =	rddreg [dreg:$0x3];
	s4 =	simm.s32 $0x0;
	s12 =	simm.s32 $0x40  }
0x5: {  	s13 =	simm.s32 $0x4F40;
	s6 =	sand.u32 $0x1, s0;
	s0 =	stileid.u32  }
0x6: {  	s14 =	simm.s32 $0x0;
	[smem:$0x7FF] =	sst s4;
	s9 =	smul.u32 $0x2800, s0  }
0x7: {  	s2 =	sshll.u32 s6, $0x4;
	s10 =	ssub.s32 $0x2, s6;
	s6 =	smul.u32 $0x28000, s6  }
0x8: {  	s31 =	sshll.u32 s0, $0x6;
	s2 =	sor.u32 s0, s2;
	s30 =	sshrl.u32 s10, $0x1  }
0x9: {  	s8 =	smul.u32 $0x4E8, s2;
	s2 =	rddreg [dreg:$0x4];
	_ =	strace $0x80000047  }
0xa: {  	s10 =	ssub.s32 s10, s30;
	s6 =	sadd.s32 s9, s6;
	s9 =	sadd.s32 s9, s3  }
0xb: {  	s11 =	sshrl.u32 s6, $0x3;
	s9 =	sshrl.u32 s9, $0x3;
	s8 =	sadd.s32 s8, s5  }
0xc: {  	s5 =	sor.u32 $0x1C01, s31;
	s7 =	sadd.s32 s7, s11;
	s11 =	simm.s32 $0x2800  }
0xd: {  	v0 =	vimm.f32 $1.000000000e+00;
	s6 =	sadd.s32 $0x1E00, s8;
	s8 =	smax.u32 s10, $0x1;
	s10 =	simm.s32 $0x1  }
.LBB2_1:
0xe: {  	[spmem:s9], [sflag:s5] =	dma.local [hbm:s1], $0x500  }
0xf: {  	_ =	swait.ge [sflag:s10], $0x500  }
0x10: {  	[sflag:s10] =	ssyncset.done $0x0  }
0x11: {  	[sflag:s10] =	ssyncadd.s32 $0xFFFFFB00  }
0x12: {  	[tilespmem:$0x4F40] =	vst v0  }
0x13: {  	[tilespmem:$0x4F50] =	vst v0  }
0x14: {  	[tilespmem:$0x4F60] =	vst v0  }
0x15: {  	[tilespmem:$0x4F70] =	vst v0  }
0x16: {  	[tilespmem:$0x4F80] =	vst v0  }
0x17: {  	[tilespmem:$0x4F90] =	vst v0  }
0x18: {  	[tilespmem:$0x4FA0] =	vst v0  }
0x19: {  	[tilespmem:$0x4FB0] =	vst v0  }
0x1a: {  	[tilespmem:$0x4FC0] =	vst v0  }
0x1b: {  	[tilespmem:$0x4FD0] =	vst v0  }
0x1c: {  	[tilespmem:$0x4FE0] =	vst v0  }
0x1d: {  	[tilespmem:$0x4FF0] =	vst v0  }
0x1e: {  	[tilespmem:$0x5000] =	vst v0  }
0x1f: {  	[tilespmem:$0x5010] =	vst v0  }
0x20: {  	[tilespmem:$0x5020] =	vst v0  }
0x21: {  	[tilespmem:$0x5030] =	vst v0  }
0x22: {  	[tilespmem:$0x5040] =	vst v0  }
0x23: {  	[tilespmem:$0x5050] =	vst v0  }
0x24: {  	[tilespmem:$0x5060] =	vst v0  }
0x25: {  	[tilespmem:$0x5070] =	vst v0  }
0x26: {  	[tilespmem:$0x5080] =	vst v0  }
0x27: {  	[tilespmem:$0x5090] =	vst v0  }
0x28: {  	[tilespmem:$0x50A0] =	vst v0  }
0x29: {  	[tilespmem:$0x50B0] =	vst v0  }
0x2a: {  	[tilespmem:$0x50C0] =	vst v0  }
0x2b: {  	[tilespmem:$0x50D0] =	vst v0  }
0x2c: {  	[tilespmem:$0x50E0] =	vst v0  }
0x2d: {  	[tilespmem:$0x50F0] =	vst v0  }
0x2e: {  	[tilespmem:$0x5100] =	vst v0  }
0x2f: {  	[tilespmem:$0x5110] =	vst v0  }
0x30: {  	[tilespmem:$0x5120] =	vst v0  }
0x31: {  	[tilespmem:$0x5130] =	vst v0  }
0x32: {  	[tilespmem:$0x5140] =	vst v0  }
0x33: {  	[tilespmem:$0x5150] =	vst v0  }
0x34: {  	[tilespmem:$0x5160] =	vst v0  }
0x35: {  	[tilespmem:$0x5170] =	vst v0  }
0x36: {  	[tilespmem:$0x5180] =	vst v0  }
0x37: {  	[tilespmem:$0x5190] =	vst v0  }
0x38: {  	[tilespmem:$0x51A0] =	vst v0  }
0x39: {  	[tilespmem:$0x51B0] =	vst v0  }
0x3a: {  	[tilespmem:$0x51C0] =	vst v0  }
0x3b: {  	[tilespmem:$0x51D0] =	vst v0  }
0x3c: {  	[tilespmem:$0x51E0] =	vst v0  }
0x3d: {  	[tilespmem:$0x51F0] =	vst v0  }
0x3e: {  	[tilespmem:$0x5200] =	vst v0  }
0x3f: {  	[tilespmem:$0x5210] =	vst v0  }
0x40: {  	[tilespmem:$0x5220] =	vst v0  }
0x41: {  	[tilespmem:$0x5230] =	vst v0  }
0x42: {  	[tilespmem:$0x5240] =	vst v0  }
0x43: {  	[tilespmem:$0x5250] =	vst v0  }
0x44: {  	[tilespmem:$0x5260] =	vst v0  }
0x45: {  	[tilespmem:$0x5270] =	vst v0  }
0x46: {  	[tilespmem:$0x5280] =	vst v0  }
0x47: {  	[tilespmem:$0x5290] =	vst v0  }
0x48: {  	[tilespmem:$0x52A0] =	vst v0  }
0x49: {  	[tilespmem:$0x52B0] =	vst v0  }
0x4a: {  	[tilespmem:$0x52C0] =	vst v0  }
0x4b: {  	[tilespmem:$0x52D0] =	vst v0  }
0x4c: {  	[tilespmem:$0x52E0] =	vst v0  }
0x4d: {  	[tilespmem:$0x52F0] =	vst v0  }
0x4e: {  	[tilespmem:$0x5300] =	vst v0  }
0x4f: {  	[tilespmem:$0x5310] =	vst v0  }
0x50: {  	[tilespmem:$0x5320] =	vst v0  }
0x51: {  	[tilespmem:$0x5330] =	vst v0  }
0x52: {  	[bflag:$0x0] =	sbarrier.arrive $0xFFFF  }
0x53: {  	[tilespmem:s11], [sflag:$0x1] =	stream.linear.gather [hbm4b:s6+s4], $0x2740, $0x38;
	[tilespmem:$0x5340] =	vst v63  }
0x54: {  	_ =	swait.ge [sflag:s10], $0x2740  }
0x55: {  	[sflag:s10] =	ssyncset.done $0x0  }
0x56: {  	s15 =	simm.s32 $0x2800;
	[sflag:s10] =	ssyncadd.s32 $0xFFFFD8C0  }
0x57: {  	[spmem:s3] =	stream.indirect.scatter.add.f32 [tilespmem:s13], [sflag:$0x1], $0x10, s15, s12, $0xb8;
	[tilespmem:$0x5340] =	vst v63  }
0x58: {  	s15 =	simm.s32 $0x100;
	_ =	swait.ge [sflag:s10], $0x400  }
.LBB2_2:
0x59: {  	s16 =	sshra.s32 s15, $0x2;
	[sflag:s10] =	ssyncset.done $0x0;
	p0 =	sne.s32 s15, $0x9C00  }
.Ltmp0:
0x5a: {  	s16 =	sadd.s32 $0x2800, s16;
	[sflag:s10] =	ssyncadd.s32 $0xFFFFFC00;
	(pc) =	sbr.rel @p0 .LBB2_2-.Ltmp0, $3  }
0x5b: {  	[spmem:s3] =	stream.indirect.scatter.add.f32 [tilespmem:s13], [sflag:$0x1], $0x10, s16, s12, $0xb8;
	[tilespmem:$0x5340] =	vst v63  }
0x5c: {  	s15 =	sadd.s32 $0x100, s15;
	_ =	sdelay $0x1  }
0x5d: {  	_ =	swait.ge [sflag:s10], $0x400  }
0x5e: {  	[sflag:s10] =	ssyncset.done $0x0;
	s14 =	sadd.s32 $0x1, s14  }
0x5f: {  	[sflag:s10] =	ssyncadd.s32 $0xFFFFFC00;
	p0 =	sne.s32 s14, s8  }
.Ltmp1:
0x60: {  	[bflag:$0x0] =	sbarrier.arrive $0xFFFF;
	(pc) =	sbr.rel @p0 .LBB2_1-.Ltmp1, $4  }
0x61: {  	[hbm:s7], [sflag:s5] =	dma.local [spmem:s9], $0x500  }
0x62: {  	_ =	swait.ge [sflag:s10], $0x500  }
0x63: {  	[sflag:s10] =	ssyncset.done $0x0  }
0x64: {  	[sflag:s10] =	ssyncadd.s32 $0xFFFFFB00  }
0x65: {  	_ =	sfence.sel $0x180000  }
0x66: {  	[bflag:$0x0] =	sbarrier.arrive $0xFFFF  }
0x67: {  	p0 =	sne.s32 s0, $0x0;
	_ =	strace $0x90000047  }
0x68: {  	s0 =	sadd.s32 @!p0 $0x100000, s2;
	[bflag:$0x2] =	sbarrier.arrive $0xFFFF  }
0x69: {  	[sflag:s0] =	ssyncadd.tile.s32 @!p0 $0x1;
	_ =	shalt  }
.Lfunc_end2:
_tile_overlayer_lowered:
.L_overlay_start_2:
0x6a: {  	(tag) =	ssettag $0x2  }
0x6b: {  	s0 =	rddreg [dreg:$0x0];
	s2 =	stileid.u32  }
0x6c: {  	s1 =	rddreg [dreg:$0x1];
	p0 =	sne.s32 s2, $0x0  }
0x6d: {  	s3 =	rddreg [dreg:$0x2];
	[bflag:$0x3] =	sbarrier.arrive $0xFFFF;
	s2 =	simm.s32 @!p0 $0x1C01  }
0x6e: {  	[timem:s3], [sflag:s2] =	dma.local @!p0 [hbm:s0], s1  }
0x6f: {  	s0 =	simm.s32 @!p0 $0x1  }
0x70: {  	_ =	swait.ge @!p0 [sflag:s0], s1  }
0x71: {  	s1 =	ssub.s32 @!p0 $0x0, s1;
	[sflag:s0] =	ssyncset.done @!p0 $0x0  }
0x72: {  	[sflag:s0] =	ssyncadd.s32 @!p0 s1  }
0x73: {  	[bflag:$0x3] =	sbarrier.arrive $0xFFFF  }
0x74: {  	_ =	shalt  }

</sc_bundles>
